<compile_context>
chip_gen: v7x
topology: tpu7x:2x2x1
jax: 0.10.2.dev20260603
libtpu: 0.0.44.dev20260713+nightly
codegen_flags: <defaults>
</compile_context>

<pallas_src>
import functools

import jax
import jax.numpy as jnp
import numpy as np
from jax import lax
from jax.experimental import pallas as pl
from jax.experimental.pallas import tpu as pltpu
from jax.experimental.pallas import tpu_sc as plsc

N_NODES = 10000
NPAD = 10240
D_IN = 128
D_HID = 128
D_OUT = 64
N_EDGES = 320000
NW = 32
CH = 128
EPW = 10240
NCH = EPW // CH
EPAD = NW * EPW
ROWS_PER_TILE = NPAD // 16

_mesh = plsc.VectorSubcoreMesh(core_axis_name="c", subcore_axis_name="s")

_PAD_E = EPAD - N_EDGES
_PAD_SRC = np.arange(_PAD_E, dtype=np.int32) % NPAD
_PAD_DST = N_NODES + (np.arange(_PAD_E, dtype=np.int32) % (NPAD - N_NODES))



@functools.partial(
    pl.kernel,
    out_type=jax.ShapeDtypeStruct((2 * NPAD,), jnp.float32),
    mesh=_mesh,
    scratch_types=[
        pltpu.VMEM((NCH, CH), jnp.int32),
        pltpu.VMEM((CH,), jnp.float32),
        pltpu.VMEM_SHARED((NPAD,), jnp.float32),
    ],
)
def _sc_count(dst_hbm, zeros1_hbm, out_hbm, dst_all, ones_v, acc):
    c = lax.axis_index("c")
    s = lax.axis_index("s")
    wid = s * 2 + c
    for j in range(CH // 16):
        ones_v[pl.ds(j * 16, 16)] = jnp.ones((16,), jnp.float32)
    rbase = s * ROWS_PER_TILE
    pltpu.sync_copy(dst_hbm.at[pl.ds(wid * NCH, NCH)], dst_all)
    pltpu.sync_copy(zeros1_hbm, acc.at[pl.ds(rbase, ROWS_PER_TILE)])
    plsc.subcore_barrier()

    def body(i, carry):
        pltpu.sync_copy(ones_v, acc.at[dst_all.at[i]], add=True)
        return carry

    lax.fori_loop(0, NCH, body, 0)
    plsc.subcore_barrier()
    pltpu.sync_copy(acc.at[pl.ds(rbase, ROWS_PER_TILE)],
                    out_hbm.at[pl.ds(c * NPAD + rbase, ROWS_PER_TILE)])



def _make_sc_scatter(D):
    params = (pltpu.CompilerParams(use_tc_tiling_on_sc=False)
              if D % 128 != 0 else None)

    npass = 2 if D > 64 else 1
    nstg = NCH // npass
    nbuf = 2 if D > 64 else 4

    @functools.partial(
        pl.kernel,
        out_type=jax.ShapeDtypeStruct((2 * NPAD, D), jnp.float32),
        mesh=_mesh,
        compiler_params=params,
        scratch_types=(
            [pltpu.VMEM((nstg, CH), jnp.int32),
             pltpu.VMEM((nstg, CH), jnp.int32)]
            + [pltpu.VMEM((CH, D), jnp.float32) for _ in range(nbuf)]
            + [pltpu.VMEM_SHARED((NPAD, D), jnp.float32)]
            + [pltpu.SemaphoreType.DMA for _ in range(nbuf)]
        ),
    )
    def k(hs_hbm, src_hbm, dst_hbm, zeros_hbm, out_hbm,
          src_all, dst_all, *rest):
        bufs = rest[:nbuf]
        acc = rest[nbuf]
        sems = rest[nbuf + 1:]
        c = lax.axis_index("c")
        s = lax.axis_index("s")
        wid = s * 2 + c
        rbase = s * ROWS_PER_TILE

        @pl.when(c == 0)
        def _():
            pltpu.sync_copy(hs_hbm.at[pl.ds(rbase, ROWS_PER_TILE)],
                            acc.at[pl.ds(rbase, ROWS_PER_TILE)])

        @pl.when(c != 0)
        def _():
            pltpu.sync_copy(zeros_hbm, acc.at[pl.ds(rbase, ROWS_PER_TILE)])

        plsc.subcore_barrier()

        for half in range(npass):
            pltpu.sync_copy(
                src_hbm.at[pl.ds(wid * NCH + half * nstg, nstg)], src_all)
            pltpu.sync_copy(
                dst_hbm.at[pl.ds(wid * NCH + half * nstg, nstg)], dst_all)
            for t in range(nbuf):
                pltpu.async_copy(hs_hbm.at[src_all.at[t]], bufs[t], sems[t])

            def body(j, carry):
                base = nbuf * j
                for t in range(nbuf):
                    ck = base + t
                    pltpu.make_async_copy(
                        hs_hbm.at[src_all.at[ck]], bufs[t], sems[t]).wait()
                    pltpu.sync_copy(bufs[t], acc.at[dst_all.at[ck]], add=True)

                    @pl.when(ck + nbuf < nstg)
                    def _(t=t, ck=ck):
                        pltpu.async_copy(
                            hs_hbm.at[src_all.at[ck + nbuf]], bufs[t], sems[t])

                return carry

            lax.fori_loop(0, nstg // nbuf, body, 0)
        plsc.subcore_barrier()
        pltpu.sync_copy(acc.at[pl.ds(rbase, ROWS_PER_TILE)],
                        out_hbm.at[pl.ds(c * NPAD + rbase, ROWS_PER_TILE)])

    return k


_sc_scatter_hid = _make_sc_scatter(D_HID)
_sc_scatter_out = _make_sc_scatter(D_OUT)



BN = 2048


def _tc1_body(cnt_ref, x_ref, w_ref, dis_ref, hs_ref):
    cnt = cnt_ref[:, 0:1] + cnt_ref[:, 1:2]
    dis = lax.rsqrt(cnt + 1.0)
    dis_ref[...] = dis
    h = jnp.dot(x_ref[...], w_ref[...], preferred_element_type=jnp.float32)
    hs_ref[...] = h * dis


def _tc1(cnt2, x_p, W1):
    grid = NPAD // BN
    return pl.pallas_call(
        _tc1_body,
        grid=(grid,),
        in_specs=[
            pl.BlockSpec((BN, 2), lambda i: (i, 0)),
            pl.BlockSpec((BN, D_IN), lambda i: (i, 0)),
            pl.BlockSpec((D_IN, D_HID), lambda i: (0, 0)),
        ],
        out_specs=[
            pl.BlockSpec((BN, 1), lambda i: (i, 0)),
            pl.BlockSpec((BN, D_HID), lambda i: (i, 0)),
        ],
        out_shape=[
            jax.ShapeDtypeStruct((NPAD, 1), jnp.float32),
            jax.ShapeDtypeStruct((NPAD, D_HID), jnp.float32),
        ],
    )(cnt2, x_p, W1)


def _tc2_body(p0_ref, p1_ref, dis_ref, b_ref, w_ref, hs2_ref):
    agg = p0_ref[...] + p1_ref[...]
    dis = dis_ref[...]
    h1 = jnp.maximum(agg * dis + b_ref[...], 0.0)
    hs2_ref[...] = jnp.dot(h1, w_ref[...],
                           preferred_element_type=jnp.float32) * dis


def _tc2(p, dis, b1r, W2):
    grid = NPAD // BN
    nb = NPAD // BN
    return pl.pallas_call(
        _tc2_body,
        grid=(grid,),
        in_specs=[
            pl.BlockSpec((BN, D_HID), lambda i: (i, 0)),
            pl.BlockSpec((BN, D_HID), lambda i: (i + nb, 0)),
            pl.BlockSpec((BN, 1), lambda i: (i, 0)),
            pl.BlockSpec((1, D_HID), lambda i: (0, 0)),
            pl.BlockSpec((D_HID, D_OUT), lambda i: (0, 0)),
        ],
        out_specs=pl.BlockSpec((BN, D_OUT), lambda i: (i, 0)),
        out_shape=jax.ShapeDtypeStruct((NPAD, D_OUT), jnp.float32),
    )(p, p, dis, b1r, W2)


def _tc3_body(q0_ref, q1_ref, dis_ref, b_ref, out_ref):
    agg = q0_ref[...] + q1_ref[...]
    out_ref[...] = agg * dis_ref[...] + b_ref[...]


def _tc3(q, dis, b2r):
    grid = NPAD // BN
    nb = NPAD // BN
    return pl.pallas_call(
        _tc3_body,
        grid=(grid,),
        in_specs=[
            pl.BlockSpec((BN, D_OUT), lambda i: (i, 0)),
            pl.BlockSpec((BN, D_OUT), lambda i: (i + nb, 0)),
            pl.BlockSpec((BN, 1), lambda i: (i, 0)),
            pl.BlockSpec((1, D_OUT), lambda i: (0, 0)),
        ],
        out_specs=pl.BlockSpec((BN, D_OUT), lambda i: (i, 0)),
        out_shape=jax.ShapeDtypeStruct((N_NODES, D_OUT), jnp.float32),
    )(q, q, dis, b2r)



def kernel(x, edge_index, W1, b1, W2, b2):
    src2 = jnp.concatenate([edge_index[0], _PAD_SRC]).reshape(EPAD // CH, CH)
    dst2 = jnp.concatenate([edge_index[1], _PAD_DST]).reshape(EPAD // CH, CH)
    zeros1 = jnp.zeros((ROWS_PER_TILE,), jnp.float32)
    zeros_hid = jnp.zeros((ROWS_PER_TILE, D_HID), jnp.float32)
    zeros_out = jnp.zeros((ROWS_PER_TILE, D_OUT), jnp.float32)

    cnt = _sc_count(dst2, zeros1)
    cnt2 = cnt.reshape(2, NPAD).T
    dis, hs1 = _tc1(cnt2, x, W1)
    p = _sc_scatter_hid(hs1, src2, dst2, zeros_hid)
    hs2 = _tc2(p, dis, b1.reshape(1, D_HID), W2)
    q = _sc_scatter_out(hs2, src2, dst2, zeros_out)
    return _tc3(q, dis, b2.reshape(1, D_OUT))

# --- scband reference (transcript-rebuilt; emitter-appended) ---
"""Pipeline reference for scband-ergnn-15985868276242 (READ-ONLY COPY).

The authoritative reference and input builder live on the scoring server;
editing this copy changes nothing except your own understanding.
"""

import jax, jax.numpy as jnp
import numpy as np

N_NODES = 10000
N_EDGES = 320000
D_IN = 128
D_HID = 128
D_OUT = 64


def setup_inputs(seed: int = 0) -> dict:
    key = jax.random.key(seed)
    k1, k2, k3, k4 = jax.random.split(key, 4)
    x = jax.random.normal(k1, (N_NODES, D_IN), dtype=jnp.float32)
    edge_index = jax.random.randint(k2, (2, N_EDGES), 0, N_NODES, dtype=jnp.int32)
    W1 = jax.random.normal(k3, (D_IN, D_HID), dtype=jnp.float32) * (1.0 / np.sqrt(D_IN))
    b1 = jnp.zeros((D_HID,), dtype=jnp.float32)
    W2 = jax.random.normal(k4, (D_HID, D_OUT), dtype=jnp.float32) * (1.0 / np.sqrt(D_HID))
    b2 = jnp.zeros((D_OUT,), dtype=jnp.float32)
    return {"x": x, "edge_index": edge_index, "W1": W1, "b1": b1, "W2": W2, "b2": b2}


def gcn_conv(x, src, dst, W, b):
    # GCNConv with symmetric normalization and self-loops (PyG semantics)
    n = x.shape[0]
    h = x @ W
    loop = jnp.arange(n, dtype=src.dtype)
    src_f = jnp.concatenate([src, loop], axis=0)
    dst_f = jnp.concatenate([dst, loop], axis=0)
    deg = jnp.zeros((n,), dtype=h.dtype).at[dst_f].add(1.0)
    dis = jnp.where(deg > 0, jax.lax.rsqrt(jnp.maximum(deg, 1e-12)), 0.0)
    norm = dis[src_f] * dis[dst_f]
    msg = h[src_f] * norm[:, None]
    out = jnp.zeros((n, h.shape[1]), dtype=h.dtype).at[dst_f].add(msg)
    return out + b


def reference(x, edge_index, W1, b1, W2, b2):
    # ERGNN.backbone_forward: two-layer GCN backbone
    src = edge_index[0]
    dst = edge_index[1]
    h = jax.nn.relu(gcn_conv(x, src, dst, W1, b1))
    out = gcn_conv(h, src, dst, W2, b2)
    return out

if __name__ == "__main__":
    import jax
    _d = setup_inputs()
    print(jax.jit(kernel)(*tuple(_d.values())))

</pallas_src>

<mosaic_0001>
#map = affine_map<(d0, d1) -> (0, 0)>
module attributes {stable_mosaic.version = 14 : i64} {
  func.func @k(%arg0: i32, %arg1: i32, %arg2: memref<10240x128xf32, #tpu.memory_space<hbm>>, %arg3: memref<2560x128xi32, #tpu.memory_space<hbm>>, %arg4: memref<2560x128xi32, #tpu.memory_space<hbm>>, %arg5: memref<640x128xf32, #tpu.memory_space<hbm>>, %arg6: memref<20480x128xf32, #tpu.memory_space<hbm>>, %arg7: memref<40x128xi32, #tpu.memory_space<vmem>>, %arg8: memref<40x128xi32, #tpu.memory_space<vmem>>, %arg9: memref<128x128xf32, #tpu.memory_space<vmem>>, %arg10: memref<128x128xf32, #tpu.memory_space<vmem>>, %arg11: memref<10240x128xf32, #tpu.memory_space<vmem_shared>>, %arg12: memref<!tpu.dma_semaphore, #tpu.memory_space<semaphore_mem>>, %arg13: memref<!tpu.dma_semaphore, #tpu.memory_space<semaphore_mem>>) attributes {dimension_semantics = [#tpu.dimension_semantics<core_parallel>, #tpu.dimension_semantics<subcore_parallel>], iteration_bounds = array<i64: 2, 16>, scalar_prefetch = 0 : i64, scratch_operands = 7 : i64, tpu.core_type = #tpu.core_type<sc_vector_subcore>, window_params = [{transform_indices = #map}, {transform_indices = #map}, {transform_indices = #map}, {transform_indices = #map}, {transform_indices = #map}]} {
    %mul3A = arith.constant 2 : i32
    %mul3A_0 = arith.muli %arg1, %mul3A : i32
    %add3A = arith.addi %mul3A_0, %arg0 : i32
    %mul3A_1 = arith.constant 640 : i32
    %mul3A_2 = arith.muli %arg1, %mul3A_1 : i32
    %eq3A = arith.constant 0 : i32
    %eq3A_3 = arith.cmpi eq, %arg0, %eq3A : i32
    %convert_element_type3A = arith.extui %eq3A_3 : i1 to i32
    %cond3A = arith.constant 0 : i32
    %cond3A_4 = arith.cmpi ne, %convert_element_type3A, %cond3A : i32
    scf.if %cond3A_4 {
      "tpu.region"() ({
        %run_scoped3A = tpu.sem_alloc : memref<!tpu.dma_semaphore, #tpu.memory_space<semaphore_mem>>
        %dma_start3A_67 = arith.constant 0 : i32
        %dma_start3A_68 = tpu.memref_slice %arg11[%mul3A_2, %dma_start3A_67] : memref<10240x128xf32, #tpu.memory_space<vmem_shared>> -> memref<640x128xf32, #tpu.memory_space<vmem_shared>>
        %dma_start3A_69 = arith.constant 0 : i32
        %dma_start3A_70 = tpu.memref_slice %arg2[%mul3A_2, %dma_start3A_69] : memref<10240x128xf32, #tpu.memory_space<hbm>> -> memref<640x128xf32, #tpu.memory_space<hbm>>
        tpu.enqueue_dma source(%dma_start3A_70 : memref<640x128xf32, #tpu.memory_space<hbm>>) target(%dma_start3A_68 : memref<640x128xf32, #tpu.memory_space<vmem_shared>>) target_semaphore(%run_scoped3A : memref<!tpu.dma_semaphore, #tpu.memory_space<semaphore_mem>>)
        %dma_wait3A = arith.constant 0 : i32
        %dma_wait3A_71 = tpu.memref_slice %arg11[%mul3A_2, %dma_wait3A] : memref<10240x128xf32, #tpu.memory_space<vmem_shared>> -> memref<640x128xf32, #tpu.memory_space<vmem_shared>>
        %dma_wait3A_72 = arith.constant 0 : i32
        %dma_wait3A_73 = tpu.memref_slice %arg2[%mul3A_2, %dma_wait3A_72] : memref<10240x128xf32, #tpu.memory_space<hbm>> -> memref<640x128xf32, #tpu.memory_space<hbm>>
        tpu.wait_dma2 semaphore(%run_scoped3A : memref<!tpu.dma_semaphore, #tpu.memory_space<semaphore_mem>>) src(%dma_wait3A_73 : memref<640x128xf32, #tpu.memory_space<hbm>>) dst(%dma_wait3A_71 : memref<640x128xf32, #tpu.memory_space<vmem_shared>>)
        tpu.yield
      }) : () -> ()
    } else {
    }
    %ne3A = arith.constant 0 : i32
    %ne3A_5 = arith.cmpi ne, %arg0, %ne3A : i32
    %convert_element_type3A_6 = arith.extui %ne3A_5 : i1 to i32
    %cond3A_7 = arith.constant 0 : i32
    %cond3A_8 = arith.cmpi ne, %convert_element_type3A_6, %cond3A_7 : i32
    scf.if %cond3A_8 {
      "tpu.region"() ({
        %run_scoped3A = tpu.sem_alloc : memref<!tpu.dma_semaphore, #tpu.memory_space<semaphore_mem>>
        %dma_start3A_67 = arith.constant 0 : i32
        %dma_start3A_68 = tpu.memref_slice %arg11[%mul3A_2, %dma_start3A_67] : memref<10240x128xf32, #tpu.memory_space<vmem_shared>> -> memref<640x128xf32, #tpu.memory_space<vmem_shared>>
        tpu.enqueue_dma source(%arg5 : memref<640x128xf32, #tpu.memory_space<hbm>>) target(%dma_start3A_68 : memref<640x128xf32, #tpu.memory_space<vmem_shared>>) target_semaphore(%run_scoped3A : memref<!tpu.dma_semaphore, #tpu.memory_space<semaphore_mem>>)
        %dma_wait3A = arith.constant 0 : i32
        %dma_wait3A_69 = tpu.memref_slice %arg11[%mul3A_2, %dma_wait3A] : memref<10240x128xf32, #tpu.memory_space<vmem_shared>> -> memref<640x128xf32, #tpu.memory_space<vmem_shared>>
        tpu.wait_dma2 semaphore(%run_scoped3A : memref<!tpu.dma_semaphore, #tpu.memory_space<semaphore_mem>>) src(%arg5 : memref<640x128xf32, #tpu.memory_space<hbm>>) dst(%dma_wait3A_69 : memref<640x128xf32, #tpu.memory_space<vmem_shared>>)
        tpu.yield
      }) : () -> ()
    } else {
    }
    %barrier3A = arith.constant 0 : index
    tpu.barrier barrier_id(%barrier3A)
    %mul3A_9 = arith.constant 80 : i32
    %mul3A_10 = arith.muli %add3A, %mul3A_9 : i32
    %add3A_11 = arith.constant 0 : i32
    %add3A_12 = arith.addi %mul3A_10, %add3A_11 : i32
    "tpu.region"() ({
      %run_scoped3A = tpu.sem_alloc : memref<!tpu.dma_semaphore, #tpu.memory_space<semaphore_mem>>
      %dma_start3A_67 = arith.constant 0 : i32
      %dma_start3A_68 = tpu.memref_slice %arg3[%add3A_12, %dma_start3A_67] : memref<2560x128xi32, #tpu.memory_space<hbm>> -> memref<40x128xi32, #tpu.memory_space<hbm>>
      %dma_start3A_69 = arith.constant 0 : i32
      %dma_start3A_70 = tpu.memref_slice %arg3[%add3A_12, %dma_start3A_69] : memref<2560x128xi32, #tpu.memory_space<hbm>> -> memref<40x128xi32, #tpu.memory_space<hbm>>
      tpu.enqueue_dma source(%dma_start3A_70 : memref<40x128xi32, #tpu.memory_space<hbm>>) target(%arg7 : memref<40x128xi32, #tpu.memory_space<vmem>>) target_semaphore(%run_scoped3A : memref<!tpu.dma_semaphore, #tpu.memory_space<semaphore_mem>>)
      %dma_wait3A = arith.constant 0 : i32
      %dma_wait3A_71 = tpu.memref_slice %arg3[%add3A_12, %dma_wait3A] : memref<2560x128xi32, #tpu.memory_space<hbm>> -> memref<40x128xi32, #tpu.memory_space<hbm>>
      %dma_wait3A_72 = arith.constant 0 : i32
      %dma_wait3A_73 = tpu.memref_slice %arg3[%add3A_12, %dma_wait3A_72] : memref<2560x128xi32, #tpu.memory_space<hbm>> -> memref<40x128xi32, #tpu.memory_space<hbm>>
      tpu.wait_dma2 semaphore(%run_scoped3A : memref<!tpu.dma_semaphore, #tpu.memory_space<semaphore_mem>>) src(%dma_wait3A_73 : memref<40x128xi32, #tpu.memory_space<hbm>>) dst(%arg7 : memref<40x128xi32, #tpu.memory_space<vmem>>)
      tpu.yield
    }) : () -> ()
    %mul3A_13 = arith.constant 80 : i32
    %mul3A_14 = arith.muli %add3A, %mul3A_13 : i32
    %add3A_15 = arith.constant 0 : i32
    %add3A_16 = arith.addi %mul3A_14, %add3A_15 : i32
    "tpu.region"() ({
      %run_scoped3A = tpu.sem_alloc : memref<!tpu.dma_semaphore, #tpu.memory_space<semaphore_mem>>
      %dma_start3A_67 = arith.constant 0 : i32
      %dma_start3A_68 = tpu.memref_slice %arg4[%add3A_16, %dma_start3A_67] : memref<2560x128xi32, #tpu.memory_space<hbm>> -> memref<40x128xi32, #tpu.memory_space<hbm>>
      %dma_start3A_69 = arith.constant 0 : i32
      %dma_start3A_70 = tpu.memref_slice %arg4[%add3A_16, %dma_start3A_69] : memref<2560x128xi32, #tpu.memory_space<hbm>> -> memref<40x128xi32, #tpu.memory_space<hbm>>
      tpu.enqueue_dma source(%dma_start3A_70 : memref<40x128xi32, #tpu.memory_space<hbm>>) target(%arg8 : memref<40x128xi32, #tpu.memory_space<vmem>>) target_semaphore(%run_scoped3A : memref<!tpu.dma_semaphore, #tpu.memory_space<semaphore_mem>>)
      %dma_wait3A = arith.constant 0 : i32
      %dma_wait3A_71 = tpu.memref_slice %arg4[%add3A_16, %dma_wait3A] : memref<2560x128xi32, #tpu.memory_space<hbm>> -> memref<40x128xi32, #tpu.memory_space<hbm>>
      %dma_wait3A_72 = arith.constant 0 : i32
      %dma_wait3A_73 = tpu.memref_slice %arg4[%add3A_16, %dma_wait3A_72] : memref<2560x128xi32, #tpu.memory_space<hbm>> -> memref<40x128xi32, #tpu.memory_space<hbm>>
      tpu.wait_dma2 semaphore(%run_scoped3A : memref<!tpu.dma_semaphore, #tpu.memory_space<semaphore_mem>>) src(%dma_wait3A_73 : memref<40x128xi32, #tpu.memory_space<hbm>>) dst(%arg8 : memref<40x128xi32, #tpu.memory_space<vmem>>)
      tpu.yield
    }) : () -> ()
    %dma_start3A = arith.constant 0 : i32
    %dma_start3A_17 = arith.constant 0 : i32
    %dma_start3A_18 = tpu.memref_slice %arg7[%dma_start3A, %dma_start3A_17] : memref<40x128xi32, #tpu.memory_space<vmem>> -> memref<1x128xi32, #tpu.memory_space<vmem>>
    %dma_start3A_19 = tpu.memref_squeeze %dma_start3A_18 : memref<1x128xi32, #tpu.memory_space<vmem>> -> memref<128xi32, #tpu.memory_space<vmem>>
    %dma_start3A_20 = arith.constant 0 : i32
    %dma_start3A_21 = arith.constant 0 : i32
    %dma_start3A_22 = tpu.memref_slice %arg2[%dma_start3A_20, %dma_start3A_21] : memref<10240x128xf32, #tpu.memory_space<hbm>> -> memref<10240x128xf32, #tpu.memory_space<hbm>>
    tpu.enqueue_indirect_dma source(%dma_start3A_22 : memref<10240x128xf32, #tpu.memory_space<hbm>>) target(%arg9 : memref<128x128xf32, #tpu.memory_space<vmem>>) offsets(%dma_start3A_19 : memref<128xi32, #tpu.memory_space<vmem>>) semaphore(%arg12 : memref<!tpu.dma_semaphore, #tpu.memory_space<semaphore_mem>>)
    %dma_start3A_23 = arith.constant 1 : i32
    %dma_start3A_24 = arith.constant 0 : i32
    %dma_start3A_25 = tpu.memref_slice %arg7[%dma_start3A_23, %dma_start3A_24] : memref<40x128xi32, #tpu.memory_space<vmem>> -> memref<1x128xi32, #tpu.memory_space<vmem>>
    %dma_start3A_26 = tpu.memref_squeeze %dma_start3A_25 : memref<1x128xi32, #tpu.memory_space<vmem>> -> memref<128xi32, #tpu.memory_space<vmem>>
    %dma_start3A_27 = arith.constant 0 : i32
    %dma_start3A_28 = arith.constant 0 : i32
    %dma_start3A_29 = tpu.memref_slice %arg2[%dma_start3A_27, %dma_start3A_28] : memref<10240x128xf32, #tpu.memory_space<hbm>> -> memref<10240x128xf32, #tpu.memory_space<hbm>>
    tpu.enqueue_indirect_dma source(%dma_start3A_29 : memref<10240x128xf32, #tpu.memory_space<hbm>>) target(%arg10 : memref<128x128xf32, #tpu.memory_space<vmem>>) offsets(%dma_start3A_26 : memref<128xi32, #tpu.memory_space<vmem>>) semaphore(%arg13 : memref<!tpu.dma_semaphore, #tpu.memory_space<semaphore_mem>>)
    %scan3A = arith.constant 0 : i32
    %scan3A_30 = arith.constant 0 : i32
    %scan3A_31 = arith.constant 20 : i32
    %scan3A_32 = arith.addi %scan3A_30, %scan3A_31 : i32
    %scan3A_33 = arith.constant 1 : i32
    scf.for %scan3A_67 = %scan3A_30 to %scan3A_32 step %scan3A_33  : i32 {
      %mul3A_68 = arith.constant 2 : i32
      %mul3A_69 = arith.muli %mul3A_68, %scan3A_67 : i32
      %add3A_70 = arith.constant 0 : i32
      %add3A_71 = arith.addi %mul3A_69, %add3A_70 : i32
      %dma_wait3A = arith.constant 0 : i32
      %dma_wait3A_72 = tpu.memref_slice %arg7[%add3A_71, %dma_wait3A] : memref<40x128xi32, #tpu.memory_space<vmem>> -> memref<1x128xi32, #tpu.memory_space<vmem>>
      %dma_wait3A_73 = tpu.memref_squeeze %dma_wait3A_72 : memref<1x128xi32, #tpu.memory_space<vmem>> -> memref<128xi32, #tpu.memory_space<vmem>>
      %dma_wait3A_74 = arith.constant 0 : i32
      %dma_wait3A_75 = arith.constant 0 : i32
      %dma_wait3A_76 = tpu.memref_slice %arg2[%dma_wait3A_74, %dma_wait3A_75] : memref<10240x128xf32, #tpu.memory_space<hbm>> -> memref<10240x128xf32, #tpu.memory_space<hbm>>
      tpu.wait_indirect_dma semaphore(%arg12 : memref<!tpu.dma_semaphore, #tpu.memory_space<semaphore_mem>>) src(%dma_wait3A_76 : memref<10240x128xf32, #tpu.memory_space<hbm>>) dst(%arg9 : memref<128x128xf32, #tpu.memory_space<vmem>>)
      "tpu.region"() ({
        %run_scoped3A = tpu.sem_alloc : memref<!tpu.dma_semaphore, #tpu.memory_space<semaphore_mem>>
        %dma_start3A_98 = arith.constant 0 : i32
        %dma_start3A_99 = tpu.memref_slice %arg8[%add3A_71, %dma_start3A_98] : memref<40x128xi32, #tpu.memory_space<vmem>> -> memref<1x128xi32, #tpu.memory_space<vmem>>
        %dma_start3A_100 = tpu.memref_squeeze %dma_start3A_99 : memref<1x128xi32, #tpu.memory_space<vmem>> -> memref<128xi32, #tpu.memory_space<vmem>>
        %dma_start3A_101 = arith.constant 0 : i32
        %dma_start3A_102 = arith.constant 0 : i32
        %dma_start3A_103 = tpu.memref_slice %arg11[%dma_start3A_101, %dma_start3A_102] : memref<10240x128xf32, #tpu.memory_space<vmem_shared>> -> memref<10240x128xf32, #tpu.memory_space<vmem_shared>>
        tpu.enqueue_indirect_dma source(%arg9 : memref<128x128xf32, #tpu.memory_space<vmem>>) target(%dma_start3A_103 : memref<10240x128xf32, #tpu.memory_space<vmem_shared>>) offsets(%dma_start3A_100 : memref<128xi32, #tpu.memory_space<vmem>>) semaphore(%run_scoped3A : memref<!tpu.dma_semaphore, #tpu.memory_space<semaphore_mem>>) {add = true}
        %dma_wait3A_104 = arith.constant 0 : i32
        %dma_wait3A_105 = tpu.memref_slice %arg8[%add3A_71, %dma_wait3A_104] : memref<40x128xi32, #tpu.memory_space<vmem>> -> memref<1x128xi32, #tpu.memory_space<vmem>>
        %dma_wait3A_106 = tpu.memref_squeeze %dma_wait3A_105 : memref<1x128xi32, #tpu.memory_space<vmem>> -> memref<128xi32, #tpu.memory_space<vmem>>
        %dma_wait3A_107 = arith.constant 0 : i32
        %dma_wait3A_108 = arith.constant 0 : i32
        %dma_wait3A_109 = tpu.memref_slice %arg11[%dma_wait3A_107, %dma_wait3A_108] : memref<10240x128xf32, #tpu.memory_space<vmem_shared>> -> memref<10240x128xf32, #tpu.memory_space<vmem_shared>>
        tpu.wait_indirect_dma semaphore(%run_scoped3A : memref<!tpu.dma_semaphore, #tpu.memory_space<semaphore_mem>>) src(%arg9 : memref<128x128xf32, #tpu.memory_space<vmem>>) dst(%dma_wait3A_109 : memref<10240x128xf32, #tpu.memory_space<vmem_shared>>)
        tpu.yield
      }) : () -> ()
      %add3A_77 = arith.constant 2 : i32
      %add3A_78 = arith.addi %add3A_71, %add3A_77 : i32
      %lt3A = arith.constant 40 : i32
      %lt3A_79 = arith.cmpi slt, %add3A_78, %lt3A : i32
      %convert_element_type3A_80 = arith.extui %lt3A_79 : i1 to i32
      %cond3A_81 = arith.constant 0 : i32
      %cond3A_82 = arith.cmpi ne, %convert_element_type3A_80, %cond3A_81 : i32
      scf.if %cond3A_82 {
        %add3A_98 = arith.constant 2 : i32
        %add3A_99 = arith.addi %add3A_71, %add3A_98 : i32
        %dma_start3A_100 = arith.constant 0 : i32
        %dma_start3A_101 = tpu.memref_slice %arg7[%add3A_99, %dma_start3A_100] : memref<40x128xi32, #tpu.memory_space<vmem>> -> memref<1x128xi32, #tpu.memory_space<vmem>>
        %dma_start3A_102 = tpu.memref_squeeze %dma_start3A_101 : memref<1x128xi32, #tpu.memory_space<vmem>> -> memref<128xi32, #tpu.memory_space<vmem>>
        %dma_start3A_103 = arith.constant 0 : i32
        %dma_start3A_104 = arith.constant 0 : i32
        %dma_start3A_105 = tpu.memref_slice %arg2[%dma_start3A_103, %dma_start3A_104] : memref<10240x128xf32, #tpu.memory_space<hbm>> -> memref<10240x128xf32, #tpu.memory_space<hbm>>
        tpu.enqueue_indirect_dma source(%dma_start3A_105 : memref<10240x128xf32, #tpu.memory_space<hbm>>) target(%arg9 : memref<128x128xf32, #tpu.memory_space<vmem>>) offsets(%dma_start3A_102 : memref<128xi32, #tpu.memory_space<vmem>>) semaphore(%arg12 : memref<!tpu.dma_semaphore, #tpu.memory_space<semaphore_mem>>)
      } else {
      }
      %add3A_83 = arith.constant 1 : i32
      %add3A_84 = arith.addi %mul3A_69, %add3A_83 : i32
      %dma_wait3A_85 = arith.constant 0 : i32
      %dma_wait3A_86 = tpu.memref_slice %arg7[%add3A_84, %dma_wait3A_85] : memref<40x128xi32, #tpu.memory_space<vmem>> -> memref<1x128xi32, #tpu.memory_space<vmem>>
      %dma_wait3A_87 = tpu.memref_squeeze %dma_wait3A_86 : memref<1x128xi32, #tpu.memory_space<vmem>> -> memref<128xi32, #tpu.memory_space<vmem>>
      %dma_wait3A_88 = arith.constant 0 : i32
      %dma_wait3A_89 = arith.constant 0 : i32
      %dma_wait3A_90 = tpu.memref_slice %arg2[%dma_wait3A_88, %dma_wait3A_89] : memref<10240x128xf32, #tpu.memory_space<hbm>> -> memref<10240x128xf32, #tpu.memory_space<hbm>>
      tpu.wait_indirect_dma semaphore(%arg13 : memref<!tpu.dma_semaphore, #tpu.memory_space<semaphore_mem>>) src(%dma_wait3A_90 : memref<10240x128xf32, #tpu.memory_space<hbm>>) dst(%arg10 : memref<128x128xf32, #tpu.memory_space<vmem>>)
      "tpu.region"() ({
        %run_scoped3A = tpu.sem_alloc : memref<!tpu.dma_semaphore, #tpu.memory_space<semaphore_mem>>
        %dma_start3A_98 = arith.constant 0 : i32
        %dma_start3A_99 = tpu.memref_slice %arg8[%add3A_84, %dma_start3A_98] : memref<40x128xi32, #tpu.memory_space<vmem>> -> memref<1x128xi32, #tpu.memory_space<vmem>>
        %dma_start3A_100 = tpu.memref_squeeze %dma_start3A_99 : memref<1x128xi32, #tpu.memory_space<vmem>> -> memref<128xi32, #tpu.memory_space<vmem>>
        %dma_start3A_101 = arith.constant 0 : i32
        %dma_start3A_102 = arith.constant 0 : i32
        %dma_start3A_103 = tpu.memref_slice %arg11[%dma_start3A_101, %dma_start3A_102] : memref<10240x128xf32, #tpu.memory_space<vmem_shared>> -> memref<10240x128xf32, #tpu.memory_space<vmem_shared>>
        tpu.enqueue_indirect_dma source(%arg10 : memref<128x128xf32, #tpu.memory_space<vmem>>) target(%dma_start3A_103 : memref<10240x128xf32, #tpu.memory_space<vmem_shared>>) offsets(%dma_start3A_100 : memref<128xi32, #tpu.memory_space<vmem>>) semaphore(%run_scoped3A : memref<!tpu.dma_semaphore, #tpu.memory_space<semaphore_mem>>) {add = true}
        %dma_wait3A_104 = arith.constant 0 : i32
        %dma_wait3A_105 = tpu.memref_slice %arg8[%add3A_84, %dma_wait3A_104] : memref<40x128xi32, #tpu.memory_space<vmem>> -> memref<1x128xi32, #tpu.memory_space<vmem>>
        %dma_wait3A_106 = tpu.memref_squeeze %dma_wait3A_105 : memref<1x128xi32, #tpu.memory_space<vmem>> -> memref<128xi32, #tpu.memory_space<vmem>>
        %dma_wait3A_107 = arith.constant 0 : i32
        %dma_wait3A_108 = arith.constant 0 : i32
        %dma_wait3A_109 = tpu.memref_slice %arg11[%dma_wait3A_107, %dma_wait3A_108] : memref<10240x128xf32, #tpu.memory_space<vmem_shared>> -> memref<10240x128xf32, #tpu.memory_space<vmem_shared>>
        tpu.wait_indirect_dma semaphore(%run_scoped3A : memref<!tpu.dma_semaphore, #tpu.memory_space<semaphore_mem>>) src(%arg10 : memref<128x128xf32, #tpu.memory_space<vmem>>) dst(%dma_wait3A_109 : memref<10240x128xf32, #tpu.memory_space<vmem_shared>>)
        tpu.yield
      }) : () -> ()
      %add3A_91 = arith.constant 2 : i32
      %add3A_92 = arith.addi %add3A_84, %add3A_91 : i32
      %lt3A_93 = arith.constant 40 : i32
      %lt3A_94 = arith.cmpi slt, %add3A_92, %lt3A_93 : i32
      %convert_element_type3A_95 = arith.extui %lt3A_94 : i1 to i32
      %cond3A_96 = arith.constant 0 : i32
      %cond3A_97 = arith.cmpi ne, %convert_element_type3A_95, %cond3A_96 : i32
      scf.if %cond3A_97 {
        %add3A_98 = arith.constant 2 : i32
        %add3A_99 = arith.addi %add3A_84, %add3A_98 : i32
        %dma_start3A_100 = arith.constant 0 : i32
        %dma_start3A_101 = tpu.memref_slice %arg7[%add3A_99, %dma_start3A_100] : memref<40x128xi32, #tpu.memory_space<vmem>> -> memref<1x128xi32, #tpu.memory_space<vmem>>
        %dma_start3A_102 = tpu.memref_squeeze %dma_start3A_101 : memref<1x128xi32, #tpu.memory_space<vmem>> -> memref<128xi32, #tpu.memory_space<vmem>>
        %dma_start3A_103 = arith.constant 0 : i32
        %dma_start3A_104 = arith.constant 0 : i32
        %dma_start3A_105 = tpu.memref_slice %arg2[%dma_start3A_103, %dma_start3A_104] : memref<10240x128xf32, #tpu.memory_space<hbm>> -> memref<10240x128xf32, #tpu.memory_space<hbm>>
        tpu.enqueue_indirect_dma source(%dma_start3A_105 : memref<10240x128xf32, #tpu.memory_space<hbm>>) target(%arg10 : memref<128x128xf32, #tpu.memory_space<vmem>>) offsets(%dma_start3A_102 : memref<128xi32, #tpu.memory_space<vmem>>) semaphore(%arg13 : memref<!tpu.dma_semaphore, #tpu.memory_space<semaphore_mem>>)
      } else {
      }
    }
    %scan3A_34 = arith.constant 20 : i32
    %mul3A_35 = arith.constant 80 : i32
    %mul3A_36 = arith.muli %add3A, %mul3A_35 : i32
    %add3A_37 = arith.constant 40 : i32
    %add3A_38 = arith.addi %mul3A_36, %add3A_37 : i32
    "tpu.region"() ({
      %run_scoped3A = tpu.sem_alloc : memref<!tpu.dma_semaphore, #tpu.memory_space<semaphore_mem>>
      %dma_start3A_67 = arith.constant 0 : i32
      %dma_start3A_68 = tpu.memref_slice %arg3[%add3A_38, %dma_start3A_67] : memref<2560x128xi32, #tpu.memory_space<hbm>> -> memref<40x128xi32, #tpu.memory_space<hbm>>
      %dma_start3A_69 = arith.constant 0 : i32
      %dma_start3A_70 = tpu.memref_slice %arg3[%add3A_38, %dma_start3A_69] : memref<2560x128xi32, #tpu.memory_space<hbm>> -> memref<40x128xi32, #tpu.memory_space<hbm>>
      tpu.enqueue_dma source(%dma_start3A_70 : memref<40x128xi32, #tpu.memory_space<hbm>>) target(%arg7 : memref<40x128xi32, #tpu.memory_space<vmem>>) target_semaphore(%run_scoped3A : memref<!tpu.dma_semaphore, #tpu.memory_space<semaphore_mem>>)
      %dma_wait3A = arith.constant 0 : i32
      %dma_wait3A_71 = tpu.memref_slice %arg3[%add3A_38, %dma_wait3A] : memref<2560x128xi32, #tpu.memory_space<hbm>> -> memref<40x128xi32, #tpu.memory_space<hbm>>
      %dma_wait3A_72 = arith.constant 0 : i32
      %dma_wait3A_73 = tpu.memref_slice %arg3[%add3A_38, %dma_wait3A_72] : memref<2560x128xi32, #tpu.memory_space<hbm>> -> memref<40x128xi32, #tpu.memory_space<hbm>>
      tpu.wait_dma2 semaphore(%run_scoped3A : memref<!tpu.dma_semaphore, #tpu.memory_space<semaphore_mem>>) src(%dma_wait3A_73 : memref<40x128xi32, #tpu.memory_space<hbm>>) dst(%arg7 : memref<40x128xi32, #tpu.memory_space<vmem>>)
      tpu.yield
    }) : () -> ()
    %mul3A_39 = arith.constant 80 : i32
    %mul3A_40 = arith.muli %add3A, %mul3A_39 : i32
    %add3A_41 = arith.constant 40 : i32
    %add3A_42 = arith.addi %mul3A_40, %add3A_41 : i32
    "tpu.region"() ({
      %run_scoped3A = tpu.sem_alloc : memref<!tpu.dma_semaphore, #tpu.memory_space<semaphore_mem>>
      %dma_start3A_67 = arith.constant 0 : i32
      %dma_start3A_68 = tpu.memref_slice %arg4[%add3A_42, %dma_start3A_67] : memref<2560x128xi32, #tpu.memory_space<hbm>> -> memref<40x128xi32, #tpu.memory_space<hbm>>
      %dma_start3A_69 = arith.constant 0 : i32
      %dma_start3A_70 = tpu.memref_slice %arg4[%add3A_42, %dma_start3A_69] : memref<2560x128xi32, #tpu.memory_space<hbm>> -> memref<40x128xi32, #tpu.memory_space<hbm>>
      tpu.enqueue_dma source(%dma_start3A_70 : memref<40x128xi32, #tpu.memory_space<hbm>>) target(%arg8 : memref<40x128xi32, #tpu.memory_space<vmem>>) target_semaphore(%run_scoped3A : memref<!tpu.dma_semaphore, #tpu.memory_space<semaphore_mem>>)
      %dma_wait3A = arith.constant 0 : i32
      %dma_wait3A_71 = tpu.memref_slice %arg4[%add3A_42, %dma_wait3A] : memref<2560x128xi32, #tpu.memory_space<hbm>> -> memref<40x128xi32, #tpu.memory_space<hbm>>
      %dma_wait3A_72 = arith.constant 0 : i32
      %dma_wait3A_73 = tpu.memref_slice %arg4[%add3A_42, %dma_wait3A_72] : memref<2560x128xi32, #tpu.memory_space<hbm>> -> memref<40x128xi32, #tpu.memory_space<hbm>>
      tpu.wait_dma2 semaphore(%run_scoped3A : memref<!tpu.dma_semaphore, #tpu.memory_space<semaphore_mem>>) src(%dma_wait3A_73 : memref<40x128xi32, #tpu.memory_space<hbm>>) dst(%arg8 : memref<40x128xi32, #tpu.memory_space<vmem>>)
      tpu.yield
    }) : () -> ()
    %dma_start3A_43 = arith.constant 0 : i32
    %dma_start3A_44 = arith.constant 0 : i32
    %dma_start3A_45 = tpu.memref_slice %arg7[%dma_start3A_43, %dma_start3A_44] : memref<40x128xi32, #tpu.memory_space<vmem>> -> memref<1x128xi32, #tpu.memory_space<vmem>>
    %dma_start3A_46 = tpu.memref_squeeze %dma_start3A_45 : memref<1x128xi32, #tpu.memory_space<vmem>> -> memref<128xi32, #tpu.memory_space<vmem>>
    %dma_start3A_47 = arith.constant 0 : i32
    %dma_start3A_48 = arith.constant 0 : i32
    %dma_start3A_49 = tpu.memref_slice %arg2[%dma_start3A_47, %dma_start3A_48] : memref<10240x128xf32, #tpu.memory_space<hbm>> -> memref<10240x128xf32, #tpu.memory_space<hbm>>
    tpu.enqueue_indirect_dma source(%dma_start3A_49 : memref<10240x128xf32, #tpu.memory_space<hbm>>) target(%arg9 : memref<128x128xf32, #tpu.memory_space<vmem>>) offsets(%dma_start3A_46 : memref<128xi32, #tpu.memory_space<vmem>>) semaphore(%arg12 : memref<!tpu.dma_semaphore, #tpu.memory_space<semaphore_mem>>)
    %dma_start3A_50 = arith.constant 1 : i32
    %dma_start3A_51 = arith.constant 0 : i32
    %dma_start3A_52 = tpu.memref_slice %arg7[%dma_start3A_50, %dma_start3A_51] : memref<40x128xi32, #tpu.memory_space<vmem>> -> memref<1x128xi32, #tpu.memory_space<vmem>>
    %dma_start3A_53 = tpu.memref_squeeze %dma_start3A_52 : memref<1x128xi32, #tpu.memory_space<vmem>> -> memref<128xi32, #tpu.memory_space<vmem>>
    %dma_start3A_54 = arith.constant 0 : i32
    %dma_start3A_55 = arith.constant 0 : i32
    %dma_start3A_56 = tpu.memref_slice %arg2[%dma_start3A_54, %dma_start3A_55] : memref<10240x128xf32, #tpu.memory_space<hbm>> -> memref<10240x128xf32, #tpu.memory_space<hbm>>
    tpu.enqueue_indirect_dma source(%dma_start3A_56 : memref<10240x128xf32, #tpu.memory_space<hbm>>) target(%arg10 : memref<128x128xf32, #tpu.memory_space<vmem>>) offsets(%dma_start3A_53 : memref<128xi32, #tpu.memory_space<vmem>>) semaphore(%arg13 : memref<!tpu.dma_semaphore, #tpu.memory_space<semaphore_mem>>)
    %scan3A_57 = arith.constant 0 : i32
    %scan3A_58 = arith.constant 0 : i32
    %scan3A_59 = arith.constant 20 : i32
    %scan3A_60 = arith.addi %scan3A_58, %scan3A_59 : i32
    %scan3A_61 = arith.constant 1 : i32
    scf.for %scan3A_67 = %scan3A_58 to %scan3A_60 step %scan3A_61  : i32 {
      %mul3A_68 = arith.constant 2 : i32
      %mul3A_69 = arith.muli %mul3A_68, %scan3A_67 : i32
      %add3A_70 = arith.constant 0 : i32
      %add3A_71 = arith.addi %mul3A_69, %add3A_70 : i32
      %dma_wait3A = arith.constant 0 : i32
      %dma_wait3A_72 = tpu.memref_slice %arg7[%add3A_71, %dma_wait3A] : memref<40x128xi32, #tpu.memory_space<vmem>> -> memref<1x128xi32, #tpu.memory_space<vmem>>
      %dma_wait3A_73 = tpu.memref_squeeze %dma_wait3A_72 : memref<1x128xi32, #tpu.memory_space<vmem>> -> memref<128xi32, #tpu.memory_space<vmem>>
      %dma_wait3A_74 = arith.constant 0 : i32
      %dma_wait3A_75 = arith.constant 0 : i32
      %dma_wait3A_76 = tpu.memref_slice %arg2[%dma_wait3A_74, %dma_wait3A_75] : memref<10240x128xf32, #tpu.memory_space<hbm>> -> memref<10240x128xf32, #tpu.memory_space<hbm>>
      tpu.wait_indirect_dma semaphore(%arg12 : memref<!tpu.dma_semaphore, #tpu.memory_space<semaphore_mem>>) src(%dma_wait3A_76 : memref<10240x128xf32, #tpu.memory_space<hbm>>) dst(%arg9 : memref<128x128xf32, #tpu.memory_space<vmem>>)
      "tpu.region"() ({
        %run_scoped3A = tpu.sem_alloc : memref<!tpu.dma_semaphore, #tpu.memory_space<semaphore_mem>>
        %dma_start3A_98 = arith.constant 0 : i32
        %dma_start3A_99 = tpu.memref_slice %arg8[%add3A_71, %dma_start3A_98] : memref<40x128xi32, #tpu.memory_space<vmem>> -> memref<1x128xi32, #tpu.memory_space<vmem>>
        %dma_start3A_100 = tpu.memref_squeeze %dma_start3A_99 : memref<1x128xi32, #tpu.memory_space<vmem>> -> memref<128xi32, #tpu.memory_space<vmem>>
        %dma_start3A_101 = arith.constant 0 : i32
        %dma_start3A_102 = arith.constant 0 : i32
        %dma_start3A_103 = tpu.memref_slice %arg11[%dma_start3A_101, %dma_start3A_102] : memref<10240x128xf32, #tpu.memory_space<vmem_shared>> -> memref<10240x128xf32, #tpu.memory_space<vmem_shared>>
        tpu.enqueue_indirect_dma source(%arg9 : memref<128x128xf32, #tpu.memory_space<vmem>>) target(%dma_start3A_103 : memref<10240x128xf32, #tpu.memory_space<vmem_shared>>) offsets(%dma_start3A_100 : memref<128xi32, #tpu.memory_space<vmem>>) semaphore(%run_scoped3A : memref<!tpu.dma_semaphore, #tpu.memory_space<semaphore_mem>>) {add = true}
        %dma_wait3A_104 = arith.constant 0 : i32
        %dma_wait3A_105 = tpu.memref_slice %arg8[%add3A_71, %dma_wait3A_104] : memref<40x128xi32, #tpu.memory_space<vmem>> -> memref<1x128xi32, #tpu.memory_space<vmem>>
        %dma_wait3A_106 = tpu.memref_squeeze %dma_wait3A_105 : memref<1x128xi32, #tpu.memory_space<vmem>> -> memref<128xi32, #tpu.memory_space<vmem>>
        %dma_wait3A_107 = arith.constant 0 : i32
        %dma_wait3A_108 = arith.constant 0 : i32
        %dma_wait3A_109 = tpu.memref_slice %arg11[%dma_wait3A_107, %dma_wait3A_108] : memref<10240x128xf32, #tpu.memory_space<vmem_shared>> -> memref<10240x128xf32, #tpu.memory_space<vmem_shared>>
        tpu.wait_indirect_dma semaphore(%run_scoped3A : memref<!tpu.dma_semaphore, #tpu.memory_space<semaphore_mem>>) src(%arg9 : memref<128x128xf32, #tpu.memory_space<vmem>>) dst(%dma_wait3A_109 : memref<10240x128xf32, #tpu.memory_space<vmem_shared>>)
        tpu.yield
      }) : () -> ()
      %add3A_77 = arith.constant 2 : i32
      %add3A_78 = arith.addi %add3A_71, %add3A_77 : i32
      %lt3A = arith.constant 40 : i32
      %lt3A_79 = arith.cmpi slt, %add3A_78, %lt3A : i32
      %convert_element_type3A_80 = arith.extui %lt3A_79 : i1 to i32
      %cond3A_81 = arith.constant 0 : i32
      %cond3A_82 = arith.cmpi ne, %convert_element_type3A_80, %cond3A_81 : i32
      scf.if %cond3A_82 {
        %add3A_98 = arith.constant 2 : i32
        %add3A_99 = arith.addi %add3A_71, %add3A_98 : i32
        %dma_start3A_100 = arith.constant 0 : i32
        %dma_start3A_101 = tpu.memref_slice %arg7[%add3A_99, %dma_start3A_100] : memref<40x128xi32, #tpu.memory_space<vmem>> -> memref<1x128xi32, #tpu.memory_space<vmem>>
        %dma_start3A_102 = tpu.memref_squeeze %dma_start3A_101 : memref<1x128xi32, #tpu.memory_space<vmem>> -> memref<128xi32, #tpu.memory_space<vmem>>
        %dma_start3A_103 = arith.constant 0 : i32
        %dma_start3A_104 = arith.constant 0 : i32
        %dma_start3A_105 = tpu.memref_slice %arg2[%dma_start3A_103, %dma_start3A_104] : memref<10240x128xf32, #tpu.memory_space<hbm>> -> memref<10240x128xf32, #tpu.memory_space<hbm>>
        tpu.enqueue_indirect_dma source(%dma_start3A_105 : memref<10240x128xf32, #tpu.memory_space<hbm>>) target(%arg9 : memref<128x128xf32, #tpu.memory_space<vmem>>) offsets(%dma_start3A_102 : memref<128xi32, #tpu.memory_space<vmem>>) semaphore(%arg12 : memref<!tpu.dma_semaphore, #tpu.memory_space<semaphore_mem>>)
      } else {
      }
      %add3A_83 = arith.constant 1 : i32
      %add3A_84 = arith.addi %mul3A_69, %add3A_83 : i32
      %dma_wait3A_85 = arith.constant 0 : i32
      %dma_wait3A_86 = tpu.memref_slice %arg7[%add3A_84, %dma_wait3A_85] : memref<40x128xi32, #tpu.memory_space<vmem>> -> memref<1x128xi32, #tpu.memory_space<vmem>>
      %dma_wait3A_87 = tpu.memref_squeeze %dma_wait3A_86 : memref<1x128xi32, #tpu.memory_space<vmem>> -> memref<128xi32, #tpu.memory_space<vmem>>
      %dma_wait3A_88 = arith.constant 0 : i32
      %dma_wait3A_89 = arith.constant 0 : i32
      %dma_wait3A_90 = tpu.memref_slice %arg2[%dma_wait3A_88, %dma_wait3A_89] : memref<10240x128xf32, #tpu.memory_space<hbm>> -> memref<10240x128xf32, #tpu.memory_space<hbm>>
      tpu.wait_indirect_dma semaphore(%arg13 : memref<!tpu.dma_semaphore, #tpu.memory_space<semaphore_mem>>) src(%dma_wait3A_90 : memref<10240x128xf32, #tpu.memory_space<hbm>>) dst(%arg10 : memref<128x128xf32, #tpu.memory_space<vmem>>)
      "tpu.region"() ({
        %run_scoped3A = tpu.sem_alloc : memref<!tpu.dma_semaphore, #tpu.memory_space<semaphore_mem>>
        %dma_start3A_98 = arith.constant 0 : i32
        %dma_start3A_99 = tpu.memref_slice %arg8[%add3A_84, %dma_start3A_98] : memref<40x128xi32, #tpu.memory_space<vmem>> -> memref<1x128xi32, #tpu.memory_space<vmem>>
        %dma_start3A_100 = tpu.memref_squeeze %dma_start3A_99 : memref<1x128xi32, #tpu.memory_space<vmem>> -> memref<128xi32, #tpu.memory_space<vmem>>
        %dma_start3A_101 = arith.constant 0 : i32
        %dma_start3A_102 = arith.constant 0 : i32
        %dma_start3A_103 = tpu.memref_slice %arg11[%dma_start3A_101, %dma_start3A_102] : memref<10240x128xf32, #tpu.memory_space<vmem_shared>> -> memref<10240x128xf32, #tpu.memory_space<vmem_shared>>
        tpu.enqueue_indirect_dma source(%arg10 : memref<128x128xf32, #tpu.memory_space<vmem>>) target(%dma_start3A_103 : memref<10240x128xf32, #tpu.memory_space<vmem_shared>>) offsets(%dma_start3A_100 : memref<128xi32, #tpu.memory_space<vmem>>) semaphore(%run_scoped3A : memref<!tpu.dma_semaphore, #tpu.memory_space<semaphore_mem>>) {add = true}
        %dma_wait3A_104 = arith.constant 0 : i32
        %dma_wait3A_105 = tpu.memref_slice %arg8[%add3A_84, %dma_wait3A_104] : memref<40x128xi32, #tpu.memory_space<vmem>> -> memref<1x128xi32, #tpu.memory_space<vmem>>
        %dma_wait3A_106 = tpu.memref_squeeze %dma_wait3A_105 : memref<1x128xi32, #tpu.memory_space<vmem>> -> memref<128xi32, #tpu.memory_space<vmem>>
        %dma_wait3A_107 = arith.constant 0 : i32
        %dma_wait3A_108 = arith.constant 0 : i32
        %dma_wait3A_109 = tpu.memref_slice %arg11[%dma_wait3A_107, %dma_wait3A_108] : memref<10240x128xf32, #tpu.memory_space<vmem_shared>> -> memref<10240x128xf32, #tpu.memory_space<vmem_shared>>
        tpu.wait_indirect_dma semaphore(%run_scoped3A : memref<!tpu.dma_semaphore, #tpu.memory_space<semaphore_mem>>) src(%arg10 : memref<128x128xf32, #tpu.memory_space<vmem>>) dst(%dma_wait3A_109 : memref<10240x128xf32, #tpu.memory_space<vmem_shared>>)
        tpu.yield
      }) : () -> ()
      %add3A_91 = arith.constant 2 : i32
      %add3A_92 = arith.addi %add3A_84, %add3A_91 : i32
      %lt3A_93 = arith.constant 40 : i32
      %lt3A_94 = arith.cmpi slt, %add3A_92, %lt3A_93 : i32
      %convert_element_type3A_95 = arith.extui %lt3A_94 : i1 to i32
      %cond3A_96 = arith.constant 0 : i32
      %cond3A_97 = arith.cmpi ne, %convert_element_type3A_95, %cond3A_96 : i32
      scf.if %cond3A_97 {
        %add3A_98 = arith.constant 2 : i32
        %add3A_99 = arith.addi %add3A_84, %add3A_98 : i32
        %dma_start3A_100 = arith.constant 0 : i32
        %dma_start3A_101 = tpu.memref_slice %arg7[%add3A_99, %dma_start3A_100] : memref<40x128xi32, #tpu.memory_space<vmem>> -> memref<1x128xi32, #tpu.memory_space<vmem>>
        %dma_start3A_102 = tpu.memref_squeeze %dma_start3A_101 : memref<1x128xi32, #tpu.memory_space<vmem>> -> memref<128xi32, #tpu.memory_space<vmem>>
        %dma_start3A_103 = arith.constant 0 : i32
        %dma_start3A_104 = arith.constant 0 : i32
        %dma_start3A_105 = tpu.memref_slice %arg2[%dma_start3A_103, %dma_start3A_104] : memref<10240x128xf32, #tpu.memory_space<hbm>> -> memref<10240x128xf32, #tpu.memory_space<hbm>>
        tpu.enqueue_indirect_dma source(%dma_start3A_105 : memref<10240x128xf32, #tpu.memory_space<hbm>>) target(%arg10 : memref<128x128xf32, #tpu.memory_space<vmem>>) offsets(%dma_start3A_102 : memref<128xi32, #tpu.memory_space<vmem>>) semaphore(%arg13 : memref<!tpu.dma_semaphore, #tpu.memory_space<semaphore_mem>>)
      } else {
      }
    }
    %scan3A_62 = arith.constant 20 : i32
    %barrier3A_63 = arith.constant 0 : index
    tpu.barrier barrier_id(%barrier3A_63)
    %mul3A_64 = arith.constant 10240 : i32
    %mul3A_65 = arith.muli %arg0, %mul3A_64 : i32
    %add3A_66 = arith.addi %mul3A_65, %mul3A_2 : i32
    "tpu.region"() ({
      %run_scoped3A = tpu.sem_alloc : memref<!tpu.dma_semaphore, #tpu.memory_space<semaphore_mem>>
      %dma_start3A_67 = arith.constant 0 : i32
      %dma_start3A_68 = tpu.memref_slice %arg6[%add3A_66, %dma_start3A_67] : memref<20480x128xf32, #tpu.memory_space<hbm>> -> memref<640x128xf32, #tpu.memory_space<hbm>>
      %dma_start3A_69 = arith.constant 0 : i32
      %dma_start3A_70 = tpu.memref_slice %arg11[%mul3A_2, %dma_start3A_69] : memref<10240x128xf32, #tpu.memory_space<vmem_shared>> -> memref<640x128xf32, #tpu.memory_space<vmem_shared>>
      tpu.enqueue_dma source(%dma_start3A_70 : memref<640x128xf32, #tpu.memory_space<vmem_shared>>) target(%dma_start3A_68 : memref<640x128xf32, #tpu.memory_space<hbm>>) target_semaphore(%run_scoped3A : memref<!tpu.dma_semaphore, #tpu.memory_space<semaphore_mem>>)
      %dma_wait3A = arith.constant 0 : i32
      %dma_wait3A_71 = tpu.memref_slice %arg6[%add3A_66, %dma_wait3A] : memref<20480x128xf32, #tpu.memory_space<hbm>> -> memref<640x128xf32, #tpu.memory_space<hbm>>
      %dma_wait3A_72 = arith.constant 0 : i32
      %dma_wait3A_73 = tpu.memref_slice %arg11[%mul3A_2, %dma_wait3A_72] : memref<10240x128xf32, #tpu.memory_space<vmem_shared>> -> memref<640x128xf32, #tpu.memory_space<vmem_shared>>
      tpu.wait_dma2 semaphore(%run_scoped3A : memref<!tpu.dma_semaphore, #tpu.memory_space<semaphore_mem>>) src(%dma_wait3A_73 : memref<640x128xf32, #tpu.memory_space<vmem_shared>>) dst(%dma_wait3A_71 : memref<640x128xf32, #tpu.memory_space<hbm>>)
      tpu.yield
    }) : () -> ()
    return
  }
}

#map = affine_map<(d0, d1) -> (0, 0)>
#map1 = affine_map<(d0, d1) -> (0)>
module attributes {stable_mosaic.version = 14 : i64} {
  func.func @_sc_count(%arg0: i32, %arg1: i32, %arg2: memref<2560x128xi32, #tpu.memory_space<hbm>>, %arg3: memref<640xf32, #tpu.memory_space<hbm>>, %arg4: memref<20480xf32, #tpu.memory_space<hbm>>, %arg5: memref<80x128xi32, #tpu.memory_space<vmem>>, %arg6: memref<128xf32, #tpu.memory_space<vmem>>, %arg7: memref<10240xf32, #tpu.memory_space<vmem_shared>>) attributes {dimension_semantics = [#tpu.dimension_semantics<core_parallel>, #tpu.dimension_semantics<subcore_parallel>], iteration_bounds = array<i64: 2, 16>, scalar_prefetch = 0 : i64, scratch_operands = 3 : i64, tpu.core_type = #tpu.core_type<sc_vector_subcore>, window_params = [{transform_indices = #map}, {transform_indices = #map1}, {transform_indices = #map1}]} {
    %mul3A = arith.constant 2 : i32
    %mul3A_0 = arith.muli %arg1, %mul3A : i32
    %add3A = arith.addi %mul3A_0, %arg0 : i32
    %broadcast_in_dim3A = arith.constant 1.000000e+00 : f32
    %broadcast_in_dim3A_1 = vector.broadcast %broadcast_in_dim3A : f32 to vector<16xf32>
    %swap3A = arith.constant 0 : index
    %swap3A_2 = tpu.vector_load %arg6[%swap3A] {strides = array<i32>} : memref<128xf32, #tpu.memory_space<vmem>>, vector<16xf32>,
    %swap3A_3 = vector.shape_cast %swap3A_2 : vector<16xf32> to vector<16xf32>
    %swap3A_4 = vector.shape_cast %broadcast_in_dim3A_1 : vector<16xf32> to vector<16xf32>
    tpu.vector_store %arg6[%swap3A], %swap3A_4 {strides = array<i32>} : memref<128xf32, #tpu.memory_space<vmem>>, vector<16xf32>,
    %broadcast_in_dim3A_5 = arith.constant 1.000000e+00 : f32
    %broadcast_in_dim3A_6 = vector.broadcast %broadcast_in_dim3A_5 : f32 to vector<16xf32>
    %swap3A_7 = arith.constant 16 : index
    %swap3A_8 = tpu.vector_load %arg6[%swap3A_7] {strides = array<i32>} : memref<128xf32, #tpu.memory_space<vmem>>, vector<16xf32>,
    %swap3A_9 = vector.shape_cast %swap3A_8 : vector<16xf32> to vector<16xf32>
    %swap3A_10 = vector.shape_cast %broadcast_in_dim3A_6 : vector<16xf32> to vector<16xf32>
    tpu.vector_store %arg6[%swap3A_7], %swap3A_10 {strides = array<i32>} : memref<128xf32, #tpu.memory_space<vmem>>, vector<16xf32>,
    %broadcast_in_dim3A_11 = arith.constant 1.000000e+00 : f32
    %broadcast_in_dim3A_12 = vector.broadcast %broadcast_in_dim3A_11 : f32 to vector<16xf32>
    %swap3A_13 = arith.constant 32 : index
    %swap3A_14 = tpu.vector_load %arg6[%swap3A_13] {strides = array<i32>} : memref<128xf32, #tpu.memory_space<vmem>>, vector<16xf32>,
    %swap3A_15 = vector.shape_cast %swap3A_14 : vector<16xf32> to vector<16xf32>
    %swap3A_16 = vector.shape_cast %broadcast_in_dim3A_12 : vector<16xf32> to vector<16xf32>
    tpu.vector_store %arg6[%swap3A_13], %swap3A_16 {strides = array<i32>} : memref<128xf32, #tpu.memory_space<vmem>>, vector<16xf32>,
    %broadcast_in_dim3A_17 = arith.constant 1.000000e+00 : f32
    %broadcast_in_dim3A_18 = vector.broadcast %broadcast_in_dim3A_17 : f32 to vector<16xf32>
    %swap3A_19 = arith.constant 48 : index
    %swap3A_20 = tpu.vector_load %arg6[%swap3A_19] {strides = array<i32>} : memref<128xf32, #tpu.memory_space<vmem>>, vector<16xf32>,
    %swap3A_21 = vector.shape_cast %swap3A_20 : vector<16xf32> to vector<16xf32>
    %swap3A_22 = vector.shape_cast %broadcast_in_dim3A_18 : vector<16xf32> to vector<16xf32>
    tpu.vector_store %arg6[%swap3A_19], %swap3A_22 {strides = array<i32>} : memref<128xf32, #tpu.memory_space<vmem>>, vector<16xf32>,
    %broadcast_in_dim3A_23 = arith.constant 1.000000e+00 : f32
    %broadcast_in_dim3A_24 = vector.broadcast %broadcast_in_dim3A_23 : f32 to vector<16xf32>
    %swap3A_25 = arith.constant 64 : index
    %swap3A_26 = tpu.vector_load %arg6[%swap3A_25] {strides = array<i32>} : memref<128xf32, #tpu.memory_space<vmem>>, vector<16xf32>,
    %swap3A_27 = vector.shape_cast %swap3A_26 : vector<16xf32> to vector<16xf32>
    %swap3A_28 = vector.shape_cast %broadcast_in_dim3A_24 : vector<16xf32> to vector<16xf32>
    tpu.vector_store %arg6[%swap3A_25], %swap3A_28 {strides = array<i32>} : memref<128xf32, #tpu.memory_space<vmem>>, vector<16xf32>,
    %broadcast_in_dim3A_29 = arith.constant 1.000000e+00 : f32
    %broadcast_in_dim3A_30 = vector.broadcast %broadcast_in_dim3A_29 : f32 to vector<16xf32>
    %swap3A_31 = arith.constant 80 : index
    %swap3A_32 = tpu.vector_load %arg6[%swap3A_31] {strides = array<i32>} : memref<128xf32, #tpu.memory_space<vmem>>, vector<16xf32>,
    %swap3A_33 = vector.shape_cast %swap3A_32 : vector<16xf32> to vector<16xf32>
    %swap3A_34 = vector.shape_cast %broadcast_in_dim3A_30 : vector<16xf32> to vector<16xf32>
    tpu.vector_store %arg6[%swap3A_31], %swap3A_34 {strides = array<i32>} : memref<128xf32, #tpu.memory_space<vmem>>, vector<16xf32>,
    %broadcast_in_dim3A_35 = arith.constant 1.000000e+00 : f32
    %broadcast_in_dim3A_36 = vector.broadcast %broadcast_in_dim3A_35 : f32 to vector<16xf32>
    %swap3A_37 = arith.constant 96 : index
    %swap3A_38 = tpu.vector_load %arg6[%swap3A_37] {strides = array<i32>} : memref<128xf32, #tpu.memory_space<vmem>>, vector<16xf32>,
    %swap3A_39 = vector.shape_cast %swap3A_38 : vector<16xf32> to vector<16xf32>
    %swap3A_40 = vector.shape_cast %broadcast_in_dim3A_36 : vector<16xf32> to vector<16xf32>
    tpu.vector_store %arg6[%swap3A_37], %swap3A_40 {strides = array<i32>} : memref<128xf32, #tpu.memory_space<vmem>>, vector<16xf32>,
    %broadcast_in_dim3A_41 = arith.constant 1.000000e+00 : f32
    %broadcast_in_dim3A_42 = vector.broadcast %broadcast_in_dim3A_41 : f32 to vector<16xf32>
    %swap3A_43 = arith.constant 112 : index
    %swap3A_44 = tpu.vector_load %arg6[%swap3A_43] {strides = array<i32>} : memref<128xf32, #tpu.memory_space<vmem>>, vector<16xf32>,
    %swap3A_45 = vector.shape_cast %swap3A_44 : vector<16xf32> to vector<16xf32>
    %swap3A_46 = vector.shape_cast %broadcast_in_dim3A_42 : vector<16xf32> to vector<16xf32>
    tpu.vector_store %arg6[%swap3A_43], %swap3A_46 {strides = array<i32>} : memref<128xf32, #tpu.memory_space<vmem>>, vector<16xf32>,
    %mul3A_47 = arith.constant 640 : i32
    %mul3A_48 = arith.muli %arg1, %mul3A_47 : i32
    %mul3A_49 = arith.constant 80 : i32
    %mul3A_50 = arith.muli %add3A, %mul3A_49 : i32
    "tpu.region"() ({
      %run_scoped3A = tpu.sem_alloc : memref<!tpu.dma_semaphore, #tpu.memory_space<semaphore_mem>>
      %dma_start3A = arith.constant 0 : i32
      %dma_start3A_60 = tpu.memref_slice %arg2[%mul3A_50, %dma_start3A] : memref<2560x128xi32, #tpu.memory_space<hbm>> -> memref<80x128xi32, #tpu.memory_space<hbm>>
      %dma_start3A_61 = arith.constant 0 : i32
      %dma_start3A_62 = tpu.memref_slice %arg2[%mul3A_50, %dma_start3A_61] : memref<2560x128xi32, #tpu.memory_space<hbm>> -> memref<80x128xi32, #tpu.memory_space<hbm>>
      tpu.enqueue_dma source(%dma_start3A_62 : memref<80x128xi32, #tpu.memory_space<hbm>>) target(%arg5 : memref<80x128xi32, #tpu.memory_space<vmem>>) target_semaphore(%run_scoped3A : memref<!tpu.dma_semaphore, #tpu.memory_space<semaphore_mem>>)
      %dma_wait3A = arith.constant 0 : i32
      %dma_wait3A_63 = tpu.memref_slice %arg2[%mul3A_50, %dma_wait3A] : memref<2560x128xi32, #tpu.memory_space<hbm>> -> memref<80x128xi32, #tpu.memory_space<hbm>>
      %dma_wait3A_64 = arith.constant 0 : i32
      %dma_wait3A_65 = tpu.memref_slice %arg2[%mul3A_50, %dma_wait3A_64] : memref<2560x128xi32, #tpu.memory_space<hbm>> -> memref<80x128xi32, #tpu.memory_space<hbm>>
      tpu.wait_dma2 semaphore(%run_scoped3A : memref<!tpu.dma_semaphore, #tpu.memory_space<semaphore_mem>>) src(%dma_wait3A_65 : memref<80x128xi32, #tpu.memory_space<hbm>>) dst(%arg5 : memref<80x128xi32, #tpu.memory_space<vmem>>)
      tpu.yield
    }) : () -> ()
    "tpu.region"() ({
      %run_scoped3A = tpu.sem_alloc : memref<!tpu.dma_semaphore, #tpu.memory_space<semaphore_mem>>
      %dma_start3A = tpu.memref_slice %arg7[%mul3A_48] : memref<10240xf32, #tpu.memory_space<vmem_shared>> -> memref<640xf32, #tpu.memory_space<vmem_shared>>
      tpu.enqueue_dma source(%arg3 : memref<640xf32, #tpu.memory_space<hbm>>) target(%dma_start3A : memref<640xf32, #tpu.memory_space<vmem_shared>>) target_semaphore(%run_scoped3A : memref<!tpu.dma_semaphore, #tpu.memory_space<semaphore_mem>>)
      %dma_wait3A = tpu.memref_slice %arg7[%mul3A_48] : memref<10240xf32, #tpu.memory_space<vmem_shared>> -> memref<640xf32, #tpu.memory_space<vmem_shared>>
      tpu.wait_dma2 semaphore(%run_scoped3A : memref<!tpu.dma_semaphore, #tpu.memory_space<semaphore_mem>>) src(%arg3 : memref<640xf32, #tpu.memory_space<hbm>>) dst(%dma_wait3A : memref<640xf32, #tpu.memory_space<vmem_shared>>)
      tpu.yield
    }) : () -> ()
    %barrier3A = arith.constant 0 : index
    tpu.barrier barrier_id(%barrier3A)
    %scan3A = arith.constant 0 : i32
    %scan3A_51 = arith.constant 0 : i32
    %scan3A_52 = arith.constant 80 : i32
    %scan3A_53 = arith.addi %scan3A_51, %scan3A_52 : i32
    %scan3A_54 = arith.constant 1 : i32
    scf.for %scan3A_60 = %scan3A_51 to %scan3A_53 step %scan3A_54  : i32 {
      "tpu.region"() ({
        %run_scoped3A = tpu.sem_alloc : memref<!tpu.dma_semaphore, #tpu.memory_space<semaphore_mem>>
        %dma_start3A = arith.constant 0 : i32
        %dma_start3A_61 = tpu.memref_slice %arg5[%scan3A_60, %dma_start3A] : memref<80x128xi32, #tpu.memory_space<vmem>> -> memref<1x128xi32, #tpu.memory_space<vmem>>
        %dma_start3A_62 = tpu.memref_squeeze %dma_start3A_61 : memref<1x128xi32, #tpu.memory_space<vmem>> -> memref<128xi32, #tpu.memory_space<vmem>>
        %dma_start3A_63 = arith.constant 0 : i32
        %dma_start3A_64 = tpu.memref_slice %arg7[%dma_start3A_63] : memref<10240xf32, #tpu.memory_space<vmem_shared>> -> memref<10240xf32, #tpu.memory_space<vmem_shared>>
        tpu.enqueue_indirect_dma source(%arg6 : memref<128xf32, #tpu.memory_space<vmem>>) target(%dma_start3A_64 : memref<10240xf32, #tpu.memory_space<vmem_shared>>) offsets(%dma_start3A_62 : memref<128xi32, #tpu.memory_space<vmem>>) semaphore(%run_scoped3A : memref<!tpu.dma_semaphore, #tpu.memory_space<semaphore_mem>>) {add = true}
        %dma_wait3A = arith.constant 0 : i32
        %dma_wait3A_65 = tpu.memref_slice %arg5[%scan3A_60, %dma_wait3A] : memref<80x128xi32, #tpu.memory_space<vmem>> -> memref<1x128xi32, #tpu.memory_space<vmem>>
        %dma_wait3A_66 = tpu.memref_squeeze %dma_wait3A_65 : memref<1x128xi32, #tpu.memory_space<vmem>> -> memref<128xi32, #tpu.memory_space<vmem>>
        %dma_wait3A_67 = arith.constant 0 : i32
        %dma_wait3A_68 = tpu.memref_slice %arg7[%dma_wait3A_67] : memref<10240xf32, #tpu.memory_space<vmem_shared>> -> memref<10240xf32, #tpu.memory_space<vmem_shared>>
        tpu.wait_indirect_dma semaphore(%run_scoped3A : memref<!tpu.dma_semaphore, #tpu.memory_space<semaphore_mem>>) src(%arg6 : memref<128xf32, #tpu.memory_space<vmem>>) dst(%dma_wait3A_68 : memref<10240xf32, #tpu.memory_space<vmem_shared>>)
        tpu.yield
      }) : () -> ()
    }
    %scan3A_55 = arith.constant 80 : i32
    %barrier3A_56 = arith.constant 0 : index
    tpu.barrier barrier_id(%barrier3A_56)
    %mul3A_57 = arith.constant 10240 : i32
    %mul3A_58 = arith.muli %arg0, %mul3A_57 : i32
    %add3A_59 = arith.addi %mul3A_58, %mul3A_48 : i32
    "tpu.region"() ({
      %run_scoped3A = tpu.sem_alloc : memref<!tpu.dma_semaphore, #tpu.memory_space<semaphore_mem>>
      %dma_start3A = tpu.memref_slice %arg4[%add3A_59] : memref<20480xf32, #tpu.memory_space<hbm>> -> memref<640xf32, #tpu.memory_space<hbm>>
      %dma_start3A_60 = tpu.memref_slice %arg7[%mul3A_48] : memref<10240xf32, #tpu.memory_space<vmem_shared>> -> memref<640xf32, #tpu.memory_space<vmem_shared>>
      tpu.enqueue_dma source(%dma_start3A_60 : memref<640xf32, #tpu.memory_space<vmem_shared>>) target(%dma_start3A : memref<640xf32, #tpu.memory_space<hbm>>) target_semaphore(%run_scoped3A : memref<!tpu.dma_semaphore, #tpu.memory_space<semaphore_mem>>)
      %dma_wait3A = tpu.memref_slice %arg4[%add3A_59] : memref<20480xf32, #tpu.memory_space<hbm>> -> memref<640xf32, #tpu.memory_space<hbm>>
      %dma_wait3A_61 = tpu.memref_slice %arg7[%mul3A_48] : memref<10240xf32, #tpu.memory_space<vmem_shared>> -> memref<640xf32, #tpu.memory_space<vmem_shared>>
      tpu.wait_dma2 semaphore(%run_scoped3A : memref<!tpu.dma_semaphore, #tpu.memory_space<semaphore_mem>>) src(%dma_wait3A_61 : memref<640xf32, #tpu.memory_space<vmem_shared>>) dst(%dma_wait3A : memref<640xf32, #tpu.memory_space<hbm>>)
      tpu.yield
    }) : () -> ()
    return
  }
}

#map = affine_map<(d0, d1) -> (0, 0)>
module attributes {stable_mosaic.version = 14 : i64} {
  func.func @k(%arg0: i32, %arg1: i32, %arg2: memref<10240x64xf32, #tpu.memory_space<hbm>>, %arg3: memref<2560x128xi32, #tpu.memory_space<hbm>>, %arg4: memref<2560x128xi32, #tpu.memory_space<hbm>>, %arg5: memref<640x64xf32, #tpu.memory_space<hbm>>, %arg6: memref<20480x64xf32, #tpu.memory_space<hbm>>, %arg7: memref<80x128xi32, #tpu.memory_space<vmem>>, %arg8: memref<80x128xi32, #tpu.memory_space<vmem>>, %arg9: memref<128x64xf32, #tpu.memory_space<vmem>>, %arg10: memref<128x64xf32, #tpu.memory_space<vmem>>, %arg11: memref<128x64xf32, #tpu.memory_space<vmem>>, %arg12: memref<128x64xf32, #tpu.memory_space<vmem>>, %arg13: memref<10240x64xf32, #tpu.memory_space<vmem_shared>>, %arg14: memref<!tpu.dma_semaphore, #tpu.memory_space<semaphore_mem>>, %arg15: memref<!tpu.dma_semaphore, #tpu.memory_space<semaphore_mem>>, %arg16: memref<!tpu.dma_semaphore, #tpu.memory_space<semaphore_mem>>, %arg17: memref<!tpu.dma_semaphore, #tpu.memory_space<semaphore_mem>>) attributes {dimension_semantics = [#tpu.dimension_semantics<core_parallel>, #tpu.dimension_semantics<subcore_parallel>], iteration_bounds = array<i64: 2, 16>, scalar_prefetch = 0 : i64, scratch_operands = 11 : i64, tpu.core_type = #tpu.core_type<sc_vector_subcore>, window_params = [{transform_indices = #map}, {transform_indices = #map}, {transform_indices = #map}, {transform_indices = #map}, {transform_indices = #map}]} {
    %mul3A = arith.constant 2 : i32
    %mul3A_0 = arith.muli %arg1, %mul3A : i32
    %add3A = arith.addi %mul3A_0, %arg0 : i32
    %mul3A_1 = arith.constant 640 : i32
    %mul3A_2 = arith.muli %arg1, %mul3A_1 : i32
    %eq3A = arith.constant 0 : i32
    %eq3A_3 = arith.cmpi eq, %arg0, %eq3A : i32
    %convert_element_type3A = arith.extui %eq3A_3 : i1 to i32
    %cond3A = arith.constant 0 : i32
    %cond3A_4 = arith.cmpi ne, %convert_element_type3A, %cond3A : i32
    scf.if %cond3A_4 {
      "tpu.region"() ({
        %run_scoped3A = tpu.sem_alloc : memref<!tpu.dma_semaphore, #tpu.memory_space<semaphore_mem>>
        %dma_start3A_53 = arith.constant 0 : i32
        %dma_start3A_54 = tpu.memref_slice %arg13[%mul3A_2, %dma_start3A_53] : memref<10240x64xf32, #tpu.memory_space<vmem_shared>> -> memref<640x64xf32, #tpu.memory_space<vmem_shared>>
        %dma_start3A_55 = arith.constant 0 : i32
        %dma_start3A_56 = tpu.memref_slice %arg2[%mul3A_2, %dma_start3A_55] : memref<10240x64xf32, #tpu.memory_space<hbm>> -> memref<640x64xf32, #tpu.memory_space<hbm>>
        tpu.enqueue_dma source(%dma_start3A_56 : memref<640x64xf32, #tpu.memory_space<hbm>>) target(%dma_start3A_54 : memref<640x64xf32, #tpu.memory_space<vmem_shared>>) target_semaphore(%run_scoped3A : memref<!tpu.dma_semaphore, #tpu.memory_space<semaphore_mem>>)
        %dma_wait3A = arith.constant 0 : i32
        %dma_wait3A_57 = tpu.memref_slice %arg13[%mul3A_2, %dma_wait3A] : memref<10240x64xf32, #tpu.memory_space<vmem_shared>> -> memref<640x64xf32, #tpu.memory_space<vmem_shared>>
        %dma_wait3A_58 = arith.constant 0 : i32
        %dma_wait3A_59 = tpu.memref_slice %arg2[%mul3A_2, %dma_wait3A_58] : memref<10240x64xf32, #tpu.memory_space<hbm>> -> memref<640x64xf32, #tpu.memory_space<hbm>>
        tpu.wait_dma2 semaphore(%run_scoped3A : memref<!tpu.dma_semaphore, #tpu.memory_space<semaphore_mem>>) src(%dma_wait3A_59 : memref<640x64xf32, #tpu.memory_space<hbm>>) dst(%dma_wait3A_57 : memref<640x64xf32, #tpu.memory_space<vmem_shared>>)
        tpu.yield
      }) : () -> ()
    } else {
    }
    %ne3A = arith.constant 0 : i32
    %ne3A_5 = arith.cmpi ne, %arg0, %ne3A : i32
    %convert_element_type3A_6 = arith.extui %ne3A_5 : i1 to i32
    %cond3A_7 = arith.constant 0 : i32
    %cond3A_8 = arith.cmpi ne, %convert_element_type3A_6, %cond3A_7 : i32
    scf.if %cond3A_8 {
      "tpu.region"() ({
        %run_scoped3A = tpu.sem_alloc : memref<!tpu.dma_semaphore, #tpu.memory_space<semaphore_mem>>
        %dma_start3A_53 = arith.constant 0 : i32
        %dma_start3A_54 = tpu.memref_slice %arg13[%mul3A_2, %dma_start3A_53] : memref<10240x64xf32, #tpu.memory_space<vmem_shared>> -> memref<640x64xf32, #tpu.memory_space<vmem_shared>>
        tpu.enqueue_dma source(%arg5 : memref<640x64xf32, #tpu.memory_space<hbm>>) target(%dma_start3A_54 : memref<640x64xf32, #tpu.memory_space<vmem_shared>>) target_semaphore(%run_scoped3A : memref<!tpu.dma_semaphore, #tpu.memory_space<semaphore_mem>>)
        %dma_wait3A = arith.constant 0 : i32
        %dma_wait3A_55 = tpu.memref_slice %arg13[%mul3A_2, %dma_wait3A] : memref<10240x64xf32, #tpu.memory_space<vmem_shared>> -> memref<640x64xf32, #tpu.memory_space<vmem_shared>>
        tpu.wait_dma2 semaphore(%run_scoped3A : memref<!tpu.dma_semaphore, #tpu.memory_space<semaphore_mem>>) src(%arg5 : memref<640x64xf32, #tpu.memory_space<hbm>>) dst(%dma_wait3A_55 : memref<640x64xf32, #tpu.memory_space<vmem_shared>>)
        tpu.yield
      }) : () -> ()
    } else {
    }
    %barrier3A = arith.constant 0 : index
    tpu.barrier barrier_id(%barrier3A)
    %mul3A_9 = arith.constant 80 : i32
    %mul3A_10 = arith.muli %add3A, %mul3A_9 : i32
    %add3A_11 = arith.constant 0 : i32
    %add3A_12 = arith.addi %mul3A_10, %add3A_11 : i32
    "tpu.region"() ({
      %run_scoped3A = tpu.sem_alloc : memref<!tpu.dma_semaphore, #tpu.memory_space<semaphore_mem>>
      %dma_start3A_53 = arith.constant 0 : i32
      %dma_start3A_54 = tpu.memref_slice %arg3[%add3A_12, %dma_start3A_53] : memref<2560x128xi32, #tpu.memory_space<hbm>> -> memref<80x128xi32, #tpu.memory_space<hbm>>
      %dma_start3A_55 = arith.constant 0 : i32
      %dma_start3A_56 = tpu.memref_slice %arg3[%add3A_12, %dma_start3A_55] : memref<2560x128xi32, #tpu.memory_space<hbm>> -> memref<80x128xi32, #tpu.memory_space<hbm>>
      tpu.enqueue_dma source(%dma_start3A_56 : memref<80x128xi32, #tpu.memory_space<hbm>>) target(%arg7 : memref<80x128xi32, #tpu.memory_space<vmem>>) target_semaphore(%run_scoped3A : memref<!tpu.dma_semaphore, #tpu.memory_space<semaphore_mem>>)
      %dma_wait3A = arith.constant 0 : i32
      %dma_wait3A_57 = tpu.memref_slice %arg3[%add3A_12, %dma_wait3A] : memref<2560x128xi32, #tpu.memory_space<hbm>> -> memref<80x128xi32, #tpu.memory_space<hbm>>
      %dma_wait3A_58 = arith.constant 0 : i32
      %dma_wait3A_59 = tpu.memref_slice %arg3[%add3A_12, %dma_wait3A_58] : memref<2560x128xi32, #tpu.memory_space<hbm>> -> memref<80x128xi32, #tpu.memory_space<hbm>>
      tpu.wait_dma2 semaphore(%run_scoped3A : memref<!tpu.dma_semaphore, #tpu.memory_space<semaphore_mem>>) src(%dma_wait3A_59 : memref<80x128xi32, #tpu.memory_space<hbm>>) dst(%arg7 : memref<80x128xi32, #tpu.memory_space<vmem>>)
      tpu.yield
    }) : () -> ()
    %mul3A_13 = arith.constant 80 : i32
    %mul3A_14 = arith.muli %add3A, %mul3A_13 : i32
    %add3A_15 = arith.constant 0 : i32
    %add3A_16 = arith.addi %mul3A_14, %add3A_15 : i32
    "tpu.region"() ({
      %run_scoped3A = tpu.sem_alloc : memref<!tpu.dma_semaphore, #tpu.memory_space<semaphore_mem>>
      %dma_start3A_53 = arith.constant 0 : i32
      %dma_start3A_54 = tpu.memref_slice %arg4[%add3A_16, %dma_start3A_53] : memref<2560x128xi32, #tpu.memory_space<hbm>> -> memref<80x128xi32, #tpu.memory_space<hbm>>
      %dma_start3A_55 = arith.constant 0 : i32
      %dma_start3A_56 = tpu.memref_slice %arg4[%add3A_16, %dma_start3A_55] : memref<2560x128xi32, #tpu.memory_space<hbm>> -> memref<80x128xi32, #tpu.memory_space<hbm>>
      tpu.enqueue_dma source(%dma_start3A_56 : memref<80x128xi32, #tpu.memory_space<hbm>>) target(%arg8 : memref<80x128xi32, #tpu.memory_space<vmem>>) target_semaphore(%run_scoped3A : memref<!tpu.dma_semaphore, #tpu.memory_space<semaphore_mem>>)
      %dma_wait3A = arith.constant 0 : i32
      %dma_wait3A_57 = tpu.memref_slice %arg4[%add3A_16, %dma_wait3A] : memref<2560x128xi32, #tpu.memory_space<hbm>> -> memref<80x128xi32, #tpu.memory_space<hbm>>
      %dma_wait3A_58 = arith.constant 0 : i32
      %dma_wait3A_59 = tpu.memref_slice %arg4[%add3A_16, %dma_wait3A_58] : memref<2560x128xi32, #tpu.memory_space<hbm>> -> memref<80x128xi32, #tpu.memory_space<hbm>>
      tpu.wait_dma2 semaphore(%run_scoped3A : memref<!tpu.dma_semaphore, #tpu.memory_space<semaphore_mem>>) src(%dma_wait3A_59 : memref<80x128xi32, #tpu.memory_space<hbm>>) dst(%arg8 : memref<80x128xi32, #tpu.memory_space<vmem>>)
      tpu.yield
    }) : () -> ()
    %dma_start3A = arith.constant 0 : i32
    %dma_start3A_17 = arith.constant 0 : i32
    %dma_start3A_18 = tpu.memref_slice %arg7[%dma_start3A, %dma_start3A_17] : memref<80x128xi32, #tpu.memory_space<vmem>> -> memref<1x128xi32, #tpu.memory_space<vmem>>
    %dma_start3A_19 = tpu.memref_squeeze %dma_start3A_18 : memref<1x128xi32, #tpu.memory_space<vmem>> -> memref<128xi32, #tpu.memory_space<vmem>>
    %dma_start3A_20 = arith.constant 0 : i32
    %dma_start3A_21 = arith.constant 0 : i32
    %dma_start3A_22 = tpu.memref_slice %arg2[%dma_start3A_20, %dma_start3A_21] : memref<10240x64xf32, #tpu.memory_space<hbm>> -> memref<10240x64xf32, #tpu.memory_space<hbm>>
    tpu.enqueue_indirect_dma source(%dma_start3A_22 : memref<10240x64xf32, #tpu.memory_space<hbm>>) target(%arg9 : memref<128x64xf32, #tpu.memory_space<vmem>>) offsets(%dma_start3A_19 : memref<128xi32, #tpu.memory_space<vmem>>) semaphore(%arg14 : memref<!tpu.dma_semaphore, #tpu.memory_space<semaphore_mem>>)
    %dma_start3A_23 = arith.constant 1 : i32
    %dma_start3A_24 = arith.constant 0 : i32
    %dma_start3A_25 = tpu.memref_slice %arg7[%dma_start3A_23, %dma_start3A_24] : memref<80x128xi32, #tpu.memory_space<vmem>> -> memref<1x128xi32, #tpu.memory_space<vmem>>
    %dma_start3A_26 = tpu.memref_squeeze %dma_start3A_25 : memref<1x128xi32, #tpu.memory_space<vmem>> -> memref<128xi32, #tpu.memory_space<vmem>>
    %dma_start3A_27 = arith.constant 0 : i32
    %dma_start3A_28 = arith.constant 0 : i32
    %dma_start3A_29 = tpu.memref_slice %arg2[%dma_start3A_27, %dma_start3A_28] : memref<10240x64xf32, #tpu.memory_space<hbm>> -> memref<10240x64xf32, #tpu.memory_space<hbm>>
    tpu.enqueue_indirect_dma source(%dma_start3A_29 : memref<10240x64xf32, #tpu.memory_space<hbm>>) target(%arg10 : memref<128x64xf32, #tpu.memory_space<vmem>>) offsets(%dma_start3A_26 : memref<128xi32, #tpu.memory_space<vmem>>) semaphore(%arg15 : memref<!tpu.dma_semaphore, #tpu.memory_space<semaphore_mem>>)
    %dma_start3A_30 = arith.constant 2 : i32
    %dma_start3A_31 = arith.constant 0 : i32
    %dma_start3A_32 = tpu.memref_slice %arg7[%dma_start3A_30, %dma_start3A_31] : memref<80x128xi32, #tpu.memory_space<vmem>> -> memref<1x128xi32, #tpu.memory_space<vmem>>
    %dma_start3A_33 = tpu.memref_squeeze %dma_start3A_32 : memref<1x128xi32, #tpu.memory_space<vmem>> -> memref<128xi32, #tpu.memory_space<vmem>>
    %dma_start3A_34 = arith.constant 0 : i32
    %dma_start3A_35 = arith.constant 0 : i32
    %dma_start3A_36 = tpu.memref_slice %arg2[%dma_start3A_34, %dma_start3A_35] : memref<10240x64xf32, #tpu.memory_space<hbm>> -> memref<10240x64xf32, #tpu.memory_space<hbm>>
    tpu.enqueue_indirect_dma source(%dma_start3A_36 : memref<10240x64xf32, #tpu.memory_space<hbm>>) target(%arg11 : memref<128x64xf32, #tpu.memory_space<vmem>>) offsets(%dma_start3A_33 : memref<128xi32, #tpu.memory_space<vmem>>) semaphore(%arg16 : memref<!tpu.dma_semaphore, #tpu.memory_space<semaphore_mem>>)
    %dma_start3A_37 = arith.constant 3 : i32
    %dma_start3A_38 = arith.constant 0 : i32
    %dma_start3A_39 = tpu.memref_slice %arg7[%dma_start3A_37, %dma_start3A_38] : memref<80x128xi32, #tpu.memory_space<vmem>> -> memref<1x128xi32, #tpu.memory_space<vmem>>
    %dma_start3A_40 = tpu.memref_squeeze %dma_start3A_39 : memref<1x128xi32, #tpu.memory_space<vmem>> -> memref<128xi32, #tpu.memory_space<vmem>>
    %dma_start3A_41 = arith.constant 0 : i32
    %dma_start3A_42 = arith.constant 0 : i32
    %dma_start3A_43 = tpu.memref_slice %arg2[%dma_start3A_41, %dma_start3A_42] : memref<10240x64xf32, #tpu.memory_space<hbm>> -> memref<10240x64xf32, #tpu.memory_space<hbm>>
    tpu.enqueue_indirect_dma source(%dma_start3A_43 : memref<10240x64xf32, #tpu.memory_space<hbm>>) target(%arg12 : memref<128x64xf32, #tpu.memory_space<vmem>>) offsets(%dma_start3A_40 : memref<128xi32, #tpu.memory_space<vmem>>) semaphore(%arg17 : memref<!tpu.dma_semaphore, #tpu.memory_space<semaphore_mem>>)
    %scan3A = arith.constant 0 : i32
    %scan3A_44 = arith.constant 0 : i32
    %scan3A_45 = arith.constant 20 : i32
    %scan3A_46 = arith.addi %scan3A_44, %scan3A_45 : i32
    %scan3A_47 = arith.constant 1 : i32
    scf.for %scan3A_53 = %scan3A_44 to %scan3A_46 step %scan3A_47  : i32 {
      %mul3A_54 = arith.constant 4 : i32
      %mul3A_55 = arith.muli %mul3A_54, %scan3A_53 : i32
      %add3A_56 = arith.constant 0 : i32
      %add3A_57 = arith.addi %mul3A_55, %add3A_56 : i32
      %dma_wait3A = arith.constant 0 : i32
      %dma_wait3A_58 = tpu.memref_slice %arg7[%add3A_57, %dma_wait3A] : memref<80x128xi32, #tpu.memory_space<vmem>> -> memref<1x128xi32, #tpu.memory_space<vmem>>
      %dma_wait3A_59 = tpu.memref_squeeze %dma_wait3A_58 : memref<1x128xi32, #tpu.memory_space<vmem>> -> memref<128xi32, #tpu.memory_space<vmem>>
      %dma_wait3A_60 = arith.constant 0 : i32
      %dma_wait3A_61 = arith.constant 0 : i32
      %dma_wait3A_62 = tpu.memref_slice %arg2[%dma_wait3A_60, %dma_wait3A_61] : memref<10240x64xf32, #tpu.memory_space<hbm>> -> memref<10240x64xf32, #tpu.memory_space<hbm>>
      tpu.wait_indirect_dma semaphore(%arg14 : memref<!tpu.dma_semaphore, #tpu.memory_space<semaphore_mem>>) src(%dma_wait3A_62 : memref<10240x64xf32, #tpu.memory_space<hbm>>) dst(%arg9 : memref<128x64xf32, #tpu.memory_space<vmem>>)
      "tpu.region"() ({
        %run_scoped3A = tpu.sem_alloc : memref<!tpu.dma_semaphore, #tpu.memory_space<semaphore_mem>>
        %dma_start3A_114 = arith.constant 0 : i32
        %dma_start3A_115 = tpu.memref_slice %arg8[%add3A_57, %dma_start3A_114] : memref<80x128xi32, #tpu.memory_space<vmem>> -> memref<1x128xi32, #tpu.memory_space<vmem>>
        %dma_start3A_116 = tpu.memref_squeeze %dma_start3A_115 : memref<1x128xi32, #tpu.memory_space<vmem>> -> memref<128xi32, #tpu.memory_space<vmem>>
        %dma_start3A_117 = arith.constant 0 : i32
        %dma_start3A_118 = arith.constant 0 : i32
        %dma_start3A_119 = tpu.memref_slice %arg13[%dma_start3A_117, %dma_start3A_118] : memref<10240x64xf32, #tpu.memory_space<vmem_shared>> -> memref<10240x64xf32, #tpu.memory_space<vmem_shared>>
        tpu.enqueue_indirect_dma source(%arg9 : memref<128x64xf32, #tpu.memory_space<vmem>>) target(%dma_start3A_119 : memref<10240x64xf32, #tpu.memory_space<vmem_shared>>) offsets(%dma_start3A_116 : memref<128xi32, #tpu.memory_space<vmem>>) semaphore(%run_scoped3A : memref<!tpu.dma_semaphore, #tpu.memory_space<semaphore_mem>>) {add = true}
        %dma_wait3A_120 = arith.constant 0 : i32
        %dma_wait3A_121 = tpu.memref_slice %arg8[%add3A_57, %dma_wait3A_120] : memref<80x128xi32, #tpu.memory_space<vmem>> -> memref<1x128xi32, #tpu.memory_space<vmem>>
        %dma_wait3A_122 = tpu.memref_squeeze %dma_wait3A_121 : memref<1x128xi32, #tpu.memory_space<vmem>> -> memref<128xi32, #tpu.memory_space<vmem>>
        %dma_wait3A_123 = arith.constant 0 : i32
        %dma_wait3A_124 = arith.constant 0 : i32
        %dma_wait3A_125 = tpu.memref_slice %arg13[%dma_wait3A_123, %dma_wait3A_124] : memref<10240x64xf32, #tpu.memory_space<vmem_shared>> -> memref<10240x64xf32, #tpu.memory_space<vmem_shared>>
        tpu.wait_indirect_dma semaphore(%run_scoped3A : memref<!tpu.dma_semaphore, #tpu.memory_space<semaphore_mem>>) src(%arg9 : memref<128x64xf32, #tpu.memory_space<vmem>>) dst(%dma_wait3A_125 : memref<10240x64xf32, #tpu.memory_space<vmem_shared>>)
        tpu.yield
      }) : () -> ()
      %add3A_63 = arith.constant 4 : i32
      %add3A_64 = arith.addi %add3A_57, %add3A_63 : i32
      %lt3A = arith.constant 80 : i32
      %lt3A_65 = arith.cmpi slt, %add3A_64, %lt3A : i32
      %convert_element_type3A_66 = arith.extui %lt3A_65 : i1 to i32
      %cond3A_67 = arith.constant 0 : i32
      %cond3A_68 = arith.cmpi ne, %convert_element_type3A_66, %cond3A_67 : i32
      scf.if %cond3A_68 {
        %add3A_114 = arith.constant 4 : i32
        %add3A_115 = arith.addi %add3A_57, %add3A_114 : i32
        %dma_start3A_116 = arith.constant 0 : i32
        %dma_start3A_117 = tpu.memref_slice %arg7[%add3A_115, %dma_start3A_116] : memref<80x128xi32, #tpu.memory_space<vmem>> -> memref<1x128xi32, #tpu.memory_space<vmem>>
        %dma_start3A_118 = tpu.memref_squeeze %dma_start3A_117 : memref<1x128xi32, #tpu.memory_space<vmem>> -> memref<128xi32, #tpu.memory_space<vmem>>
        %dma_start3A_119 = arith.constant 0 : i32
        %dma_start3A_120 = arith.constant 0 : i32
        %dma_start3A_121 = tpu.memref_slice %arg2[%dma_start3A_119, %dma_start3A_120] : memref<10240x64xf32, #tpu.memory_space<hbm>> -> memref<10240x64xf32, #tpu.memory_space<hbm>>
        tpu.enqueue_indirect_dma source(%dma_start3A_121 : memref<10240x64xf32, #tpu.memory_space<hbm>>) target(%arg9 : memref<128x64xf32, #tpu.memory_space<vmem>>) offsets(%dma_start3A_118 : memref<128xi32, #tpu.memory_space<vmem>>) semaphore(%arg14 : memref<!tpu.dma_semaphore, #tpu.memory_space<semaphore_mem>>)
      } else {
      }
      %add3A_69 = arith.constant 1 : i32
      %add3A_70 = arith.addi %mul3A_55, %add3A_69 : i32
      %dma_wait3A_71 = arith.constant 0 : i32
      %dma_wait3A_72 = tpu.memref_slice %arg7[%add3A_70, %dma_wait3A_71] : memref<80x128xi32, #tpu.memory_space<vmem>> -> memref<1x128xi32, #tpu.memory_space<vmem>>
      %dma_wait3A_73 = tpu.memref_squeeze %dma_wait3A_72 : memref<1x128xi32, #tpu.memory_space<vmem>> -> memref<128xi32, #tpu.memory_space<vmem>>
      %dma_wait3A_74 = arith.constant 0 : i32
      %dma_wait3A_75 = arith.constant 0 : i32
      %dma_wait3A_76 = tpu.memref_slice %arg2[%dma_wait3A_74, %dma_wait3A_75] : memref<10240x64xf32, #tpu.memory_space<hbm>> -> memref<10240x64xf32, #tpu.memory_space<hbm>>
      tpu.wait_indirect_dma semaphore(%arg15 : memref<!tpu.dma_semaphore, #tpu.memory_space<semaphore_mem>>) src(%dma_wait3A_76 : memref<10240x64xf32, #tpu.memory_space<hbm>>) dst(%arg10 : memref<128x64xf32, #tpu.memory_space<vmem>>)
      "tpu.region"() ({
        %run_scoped3A = tpu.sem_alloc : memref<!tpu.dma_semaphore, #tpu.memory_space<semaphore_mem>>
        %dma_start3A_114 = arith.constant 0 : i32
        %dma_start3A_115 = tpu.memref_slice %arg8[%add3A_70, %dma_start3A_114] : memref<80x128xi32, #tpu.memory_space<vmem>> -> memref<1x128xi32, #tpu.memory_space<vmem>>
        %dma_start3A_116 = tpu.memref_squeeze %dma_start3A_115 : memref<1x128xi32, #tpu.memory_space<vmem>> -> memref<128xi32, #tpu.memory_space<vmem>>
        %dma_start3A_117 = arith.constant 0 : i32
        %dma_start3A_118 = arith.constant 0 : i32
        %dma_start3A_119 = tpu.memref_slice %arg13[%dma_start3A_117, %dma_start3A_118] : memref<10240x64xf32, #tpu.memory_space<vmem_shared>> -> memref<10240x64xf32, #tpu.memory_space<vmem_shared>>
        tpu.enqueue_indirect_dma source(%arg10 : memref<128x64xf32, #tpu.memory_space<vmem>>) target(%dma_start3A_119 : memref<10240x64xf32, #tpu.memory_space<vmem_shared>>) offsets(%dma_start3A_116 : memref<128xi32, #tpu.memory_space<vmem>>) semaphore(%run_scoped3A : memref<!tpu.dma_semaphore, #tpu.memory_space<semaphore_mem>>) {add = true}
        %dma_wait3A_120 = arith.constant 0 : i32
        %dma_wait3A_121 = tpu.memref_slice %arg8[%add3A_70, %dma_wait3A_120] : memref<80x128xi32, #tpu.memory_space<vmem>> -> memref<1x128xi32, #tpu.memory_space<vmem>>
        %dma_wait3A_122 = tpu.memref_squeeze %dma_wait3A_121 : memref<1x128xi32, #tpu.memory_space<vmem>> -> memref<128xi32, #tpu.memory_space<vmem>>
        %dma_wait3A_123 = arith.constant 0 : i32
        %dma_wait3A_124 = arith.constant 0 : i32
        %dma_wait3A_125 = tpu.memref_slice %arg13[%dma_wait3A_123, %dma_wait3A_124] : memref<10240x64xf32, #tpu.memory_space<vmem_shared>> -> memref<10240x64xf32, #tpu.memory_space<vmem_shared>>
        tpu.wait_indirect_dma semaphore(%run_scoped3A : memref<!tpu.dma_semaphore, #tpu.memory_space<semaphore_mem>>) src(%arg10 : memref<128x64xf32, #tpu.memory_space<vmem>>) dst(%dma_wait3A_125 : memref<10240x64xf32, #tpu.memory_space<vmem_shared>>)
        tpu.yield
      }) : () -> ()
      %add3A_77 = arith.constant 4 : i32
      %add3A_78 = arith.addi %add3A_70, %add3A_77 : i32
      %lt3A_79 = arith.constant 80 : i32
      %lt3A_80 = arith.cmpi slt, %add3A_78, %lt3A_79 : i32
      %convert_element_type3A_81 = arith.extui %lt3A_80 : i1 to i32
      %cond3A_82 = arith.constant 0 : i32
      %cond3A_83 = arith.cmpi ne, %convert_element_type3A_81, %cond3A_82 : i32
      scf.if %cond3A_83 {
        %add3A_114 = arith.constant 4 : i32
        %add3A_115 = arith.addi %add3A_70, %add3A_114 : i32
        %dma_start3A_116 = arith.constant 0 : i32
        %dma_start3A_117 = tpu.memref_slice %arg7[%add3A_115, %dma_start3A_116] : memref<80x128xi32, #tpu.memory_space<vmem>> -> memref<1x128xi32, #tpu.memory_space<vmem>>
        %dma_start3A_118 = tpu.memref_squeeze %dma_start3A_117 : memref<1x128xi32, #tpu.memory_space<vmem>> -> memref<128xi32, #tpu.memory_space<vmem>>
        %dma_start3A_119 = arith.constant 0 : i32
        %dma_start3A_120 = arith.constant 0 : i32
        %dma_start3A_121 = tpu.memref_slice %arg2[%dma_start3A_119, %dma_start3A_120] : memref<10240x64xf32, #tpu.memory_space<hbm>> -> memref<10240x64xf32, #tpu.memory_space<hbm>>
        tpu.enqueue_indirect_dma source(%dma_start3A_121 : memref<10240x64xf32, #tpu.memory_space<hbm>>) target(%arg10 : memref<128x64xf32, #tpu.memory_space<vmem>>) offsets(%dma_start3A_118 : memref<128xi32, #tpu.memory_space<vmem>>) semaphore(%arg15 : memref<!tpu.dma_semaphore, #tpu.memory_space<semaphore_mem>>)
      } else {
      }
      %add3A_84 = arith.constant 2 : i32
      %add3A_85 = arith.addi %mul3A_55, %add3A_84 : i32
      %dma_wait3A_86 = arith.constant 0 : i32
      %dma_wait3A_87 = tpu.memref_slice %arg7[%add3A_85, %dma_wait3A_86] : memref<80x128xi32, #tpu.memory_space<vmem>> -> memref<1x128xi32, #tpu.memory_space<vmem>>
      %dma_wait3A_88 = tpu.memref_squeeze %dma_wait3A_87 : memref<1x128xi32, #tpu.memory_space<vmem>> -> memref<128xi32, #tpu.memory_space<vmem>>
      %dma_wait3A_89 = arith.constant 0 : i32
      %dma_wait3A_90 = arith.constant 0 : i32
      %dma_wait3A_91 = tpu.memref_slice %arg2[%dma_wait3A_89, %dma_wait3A_90] : memref<10240x64xf32, #tpu.memory_space<hbm>> -> memref<10240x64xf32, #tpu.memory_space<hbm>>
      tpu.wait_indirect_dma semaphore(%arg16 : memref<!tpu.dma_semaphore, #tpu.memory_space<semaphore_mem>>) src(%dma_wait3A_91 : memref<10240x64xf32, #tpu.memory_space<hbm>>) dst(%arg11 : memref<128x64xf32, #tpu.memory_space<vmem>>)
      "tpu.region"() ({
        %run_scoped3A = tpu.sem_alloc : memref<!tpu.dma_semaphore, #tpu.memory_space<semaphore_mem>>
        %dma_start3A_114 = arith.constant 0 : i32
        %dma_start3A_115 = tpu.memref_slice %arg8[%add3A_85, %dma_start3A_114] : memref<80x128xi32, #tpu.memory_space<vmem>> -> memref<1x128xi32, #tpu.memory_space<vmem>>
        %dma_start3A_116 = tpu.memref_squeeze %dma_start3A_115 : memref<1x128xi32, #tpu.memory_space<vmem>> -> memref<128xi32, #tpu.memory_space<vmem>>
        %dma_start3A_117 = arith.constant 0 : i32
        %dma_start3A_118 = arith.constant 0 : i32
        %dma_start3A_119 = tpu.memref_slice %arg13[%dma_start3A_117, %dma_start3A_118] : memref<10240x64xf32, #tpu.memory_space<vmem_shared>> -> memref<10240x64xf32, #tpu.memory_space<vmem_shared>>
        tpu.enqueue_indirect_dma source(%arg11 : memref<128x64xf32, #tpu.memory_space<vmem>>) target(%dma_start3A_119 : memref<10240x64xf32, #tpu.memory_space<vmem_shared>>) offsets(%dma_start3A_116 : memref<128xi32, #tpu.memory_space<vmem>>) semaphore(%run_scoped3A : memref<!tpu.dma_semaphore, #tpu.memory_space<semaphore_mem>>) {add = true}
        %dma_wait3A_120 = arith.constant 0 : i32
        %dma_wait3A_121 = tpu.memref_slice %arg8[%add3A_85, %dma_wait3A_120] : memref<80x128xi32, #tpu.memory_space<vmem>> -> memref<1x128xi32, #tpu.memory_space<vmem>>
        %dma_wait3A_122 = tpu.memref_squeeze %dma_wait3A_121 : memref<1x128xi32, #tpu.memory_space<vmem>> -> memref<128xi32, #tpu.memory_space<vmem>>
        %dma_wait3A_123 = arith.constant 0 : i32
        %dma_wait3A_124 = arith.constant 0 : i32
        %dma_wait3A_125 = tpu.memref_slice %arg13[%dma_wait3A_123, %dma_wait3A_124] : memref<10240x64xf32, #tpu.memory_space<vmem_shared>> -> memref<10240x64xf32, #tpu.memory_space<vmem_shared>>
        tpu.wait_indirect_dma semaphore(%run_scoped3A : memref<!tpu.dma_semaphore, #tpu.memory_space<semaphore_mem>>) src(%arg11 : memref<128x64xf32, #tpu.memory_space<vmem>>) dst(%dma_wait3A_125 : memref<10240x64xf32, #tpu.memory_space<vmem_shared>>)
        tpu.yield
      }) : () -> ()
      %add3A_92 = arith.constant 4 : i32
      %add3A_93 = arith.addi %add3A_85, %add3A_92 : i32
      %lt3A_94 = arith.constant 80 : i32
      %lt3A_95 = arith.cmpi slt, %add3A_93, %lt3A_94 : i32
      %convert_element_type3A_96 = arith.extui %lt3A_95 : i1 to i32
      %cond3A_97 = arith.constant 0 : i32
      %cond3A_98 = arith.cmpi ne, %convert_element_type3A_96, %cond3A_97 : i32
      scf.if %cond3A_98 {
        %add3A_114 = arith.constant 4 : i32
        %add3A_115 = arith.addi %add3A_85, %add3A_114 : i32
        %dma_start3A_116 = arith.constant 0 : i32
        %dma_start3A_117 = tpu.memref_slice %arg7[%add3A_115, %dma_start3A_116] : memref<80x128xi32, #tpu.memory_space<vmem>> -> memref<1x128xi32, #tpu.memory_space<vmem>>
        %dma_start3A_118 = tpu.memref_squeeze %dma_start3A_117 : memref<1x128xi32, #tpu.memory_space<vmem>> -> memref<128xi32, #tpu.memory_space<vmem>>
        %dma_start3A_119 = arith.constant 0 : i32
        %dma_start3A_120 = arith.constant 0 : i32
        %dma_start3A_121 = tpu.memref_slice %arg2[%dma_start3A_119, %dma_start3A_120] : memref<10240x64xf32, #tpu.memory_space<hbm>> -> memref<10240x64xf32, #tpu.memory_space<hbm>>
        tpu.enqueue_indirect_dma source(%dma_start3A_121 : memref<10240x64xf32, #tpu.memory_space<hbm>>) target(%arg11 : memref<128x64xf32, #tpu.memory_space<vmem>>) offsets(%dma_start3A_118 : memref<128xi32, #tpu.memory_space<vmem>>) semaphore(%arg16 : memref<!tpu.dma_semaphore, #tpu.memory_space<semaphore_mem>>)
      } else {
      }
      %add3A_99 = arith.constant 3 : i32
      %add3A_100 = arith.addi %mul3A_55, %add3A_99 : i32
      %dma_wait3A_101 = arith.constant 0 : i32
      %dma_wait3A_102 = tpu.memref_slice %arg7[%add3A_100, %dma_wait3A_101] : memref<80x128xi32, #tpu.memory_space<vmem>> -> memref<1x128xi32, #tpu.memory_space<vmem>>
      %dma_wait3A_103 = tpu.memref_squeeze %dma_wait3A_102 : memref<1x128xi32, #tpu.memory_space<vmem>> -> memref<128xi32, #tpu.memory_space<vmem>>
      %dma_wait3A_104 = arith.constant 0 : i32
      %dma_wait3A_105 = arith.constant 0 : i32
      %dma_wait3A_106 = tpu.memref_slice %arg2[%dma_wait3A_104, %dma_wait3A_105] : memref<10240x64xf32, #tpu.memory_space<hbm>> -> memref<10240x64xf32, #tpu.memory_space<hbm>>
      tpu.wait_indirect_dma semaphore(%arg17 : memref<!tpu.dma_semaphore, #tpu.memory_space<semaphore_mem>>) src(%dma_wait3A_106 : memref<10240x64xf32, #tpu.memory_space<hbm>>) dst(%arg12 : memref<128x64xf32, #tpu.memory_space<vmem>>)
      "tpu.region"() ({
        %run_scoped3A = tpu.sem_alloc : memref<!tpu.dma_semaphore, #tpu.memory_space<semaphore_mem>>
        %dma_start3A_114 = arith.constant 0 : i32
        %dma_start3A_115 = tpu.memref_slice %arg8[%add3A_100, %dma_start3A_114] : memref<80x128xi32, #tpu.memory_space<vmem>> -> memref<1x128xi32, #tpu.memory_space<vmem>>
        %dma_start3A_116 = tpu.memref_squeeze %dma_start3A_115 : memref<1x128xi32, #tpu.memory_space<vmem>> -> memref<128xi32, #tpu.memory_space<vmem>>
        %dma_start3A_117 = arith.constant 0 : i32
        %dma_start3A_118 = arith.constant 0 : i32
        %dma_start3A_119 = tpu.memref_slice %arg13[%dma_start3A_117, %dma_start3A_118] : memref<10240x64xf32, #tpu.memory_space<vmem_shared>> -> memref<10240x64xf32, #tpu.memory_space<vmem_shared>>
        tpu.enqueue_indirect_dma source(%arg12 : memref<128x64xf32, #tpu.memory_space<vmem>>) target(%dma_start3A_119 : memref<10240x64xf32, #tpu.memory_space<vmem_shared>>) offsets(%dma_start3A_116 : memref<128xi32, #tpu.memory_space<vmem>>) semaphore(%run_scoped3A : memref<!tpu.dma_semaphore, #tpu.memory_space<semaphore_mem>>) {add = true}
        %dma_wait3A_120 = arith.constant 0 : i32
        %dma_wait3A_121 = tpu.memref_slice %arg8[%add3A_100, %dma_wait3A_120] : memref<80x128xi32, #tpu.memory_space<vmem>> -> memref<1x128xi32, #tpu.memory_space<vmem>>
        %dma_wait3A_122 = tpu.memref_squeeze %dma_wait3A_121 : memref<1x128xi32, #tpu.memory_space<vmem>> -> memref<128xi32, #tpu.memory_space<vmem>>
        %dma_wait3A_123 = arith.constant 0 : i32
        %dma_wait3A_124 = arith.constant 0 : i32
        %dma_wait3A_125 = tpu.memref_slice %arg13[%dma_wait3A_123, %dma_wait3A_124] : memref<10240x64xf32, #tpu.memory_space<vmem_shared>> -> memref<10240x64xf32, #tpu.memory_space<vmem_shared>>
        tpu.wait_indirect_dma semaphore(%run_scoped3A : memref<!tpu.dma_semaphore, #tpu.memory_space<semaphore_mem>>) src(%arg12 : memref<128x64xf32, #tpu.memory_space<vmem>>) dst(%dma_wait3A_125 : memref<10240x64xf32, #tpu.memory_space<vmem_shared>>)
        tpu.yield
      }) : () -> ()
      %add3A_107 = arith.constant 4 : i32
      %add3A_108 = arith.addi %add3A_100, %add3A_107 : i32
      %lt3A_109 = arith.constant 80 : i32
      %lt3A_110 = arith.cmpi slt, %add3A_108, %lt3A_109 : i32
      %convert_element_type3A_111 = arith.extui %lt3A_110 : i1 to i32
      %cond3A_112 = arith.constant 0 : i32
      %cond3A_113 = arith.cmpi ne, %convert_element_type3A_111, %cond3A_112 : i32
      scf.if %cond3A_113 {
        %add3A_114 = arith.constant 4 : i32
        %add3A_115 = arith.addi %add3A_100, %add3A_114 : i32
        %dma_start3A_116 = arith.constant 0 : i32
        %dma_start3A_117 = tpu.memref_slice %arg7[%add3A_115, %dma_start3A_116] : memref<80x128xi32, #tpu.memory_space<vmem>> -> memref<1x128xi32, #tpu.memory_space<vmem>>
        %dma_start3A_118 = tpu.memref_squeeze %dma_start3A_117 : memref<1x128xi32, #tpu.memory_space<vmem>> -> memref<128xi32, #tpu.memory_space<vmem>>
        %dma_start3A_119 = arith.constant 0 : i32
        %dma_start3A_120 = arith.constant 0 : i32
        %dma_start3A_121 = tpu.memref_slice %arg2[%dma_start3A_119, %dma_start3A_120] : memref<10240x64xf32, #tpu.memory_space<hbm>> -> memref<10240x64xf32, #tpu.memory_space<hbm>>
        tpu.enqueue_indirect_dma source(%dma_start3A_121 : memref<10240x64xf32, #tpu.memory_space<hbm>>) target(%arg12 : memref<128x64xf32, #tpu.memory_space<vmem>>) offsets(%dma_start3A_118 : memref<128xi32, #tpu.memory_space<vmem>>) semaphore(%arg17 : memref<!tpu.dma_semaphore, #tpu.memory_space<semaphore_mem>>)
      } else {
      }
    }
    %scan3A_48 = arith.constant 20 : i32
    %barrier3A_49 = arith.constant 0 : index
    tpu.barrier barrier_id(%barrier3A_49)
    %mul3A_50 = arith.constant 10240 : i32
    %mul3A_51 = arith.muli %arg0, %mul3A_50 : i32
    %add3A_52 = arith.addi %mul3A_51, %mul3A_2 : i32
    "tpu.region"() ({
      %run_scoped3A = tpu.sem_alloc : memref<!tpu.dma_semaphore, #tpu.memory_space<semaphore_mem>>
      %dma_start3A_53 = arith.constant 0 : i32
      %dma_start3A_54 = tpu.memref_slice %arg6[%add3A_52, %dma_start3A_53] : memref<20480x64xf32, #tpu.memory_space<hbm>> -> memref<640x64xf32, #tpu.memory_space<hbm>>
      %dma_start3A_55 = arith.constant 0 : i32
      %dma_start3A_56 = tpu.memref_slice %arg13[%mul3A_2, %dma_start3A_55] : memref<10240x64xf32, #tpu.memory_space<vmem_shared>> -> memref<640x64xf32, #tpu.memory_space<vmem_shared>>
      tpu.enqueue_dma source(%dma_start3A_56 : memref<640x64xf32, #tpu.memory_space<vmem_shared>>) target(%dma_start3A_54 : memref<640x64xf32, #tpu.memory_space<hbm>>) target_semaphore(%run_scoped3A : memref<!tpu.dma_semaphore, #tpu.memory_space<semaphore_mem>>)
      %dma_wait3A = arith.constant 0 : i32
      %dma_wait3A_57 = tpu.memref_slice %arg6[%add3A_52, %dma_wait3A] : memref<20480x64xf32, #tpu.memory_space<hbm>> -> memref<640x64xf32, #tpu.memory_space<hbm>>
      %dma_wait3A_58 = arith.constant 0 : i32
      %dma_wait3A_59 = tpu.memref_slice %arg13[%mul3A_2, %dma_wait3A_58] : memref<10240x64xf32, #tpu.memory_space<vmem_shared>> -> memref<640x64xf32, #tpu.memory_space<vmem_shared>>
      tpu.wait_dma2 semaphore(%run_scoped3A : memref<!tpu.dma_semaphore, #tpu.memory_space<semaphore_mem>>) src(%dma_wait3A_59 : memref<640x64xf32, #tpu.memory_space<vmem_shared>>) dst(%dma_wait3A_57 : memref<640x64xf32, #tpu.memory_space<hbm>>)
      tpu.yield
    }) : () -> ()
    return
  }
}

module attributes {stable_mosaic.version = 14 : i64} {
  func.func @_tc1_body(%arg0: i32, %arg1: memref<2048x2xf32, #tpu.memory_space<vmem>>, %arg2: memref<2048x128xf32, #tpu.memory_space<vmem>>, %arg3: memref<128x128xf32, #tpu.memory_space<vmem>>, %arg4: memref<2048x1xf32, #tpu.memory_space<vmem>>, %arg5: memref<2048x128xf32, #tpu.memory_space<vmem>>) attributes {dimension_semantics = [#tpu.dimension_semantics<arbitrary>], iteration_bounds = array<i64: 5>, scalar_prefetch = 0 : i64, scratch_operands = 0 : i64, tpu.core_type = #tpu.core_type<tc>, window_params = [{transform_indices = @transform_0, window_bounds = array<i64: 2048, 2>}, {transform_indices = @transform_1, window_bounds = array<i64: 2048, 128>}, {pipeline_mode = #tpu.pipeline_mode<synchronous>, transform_indices = @transform_2, window_bounds = array<i64: 128, 128>}, {transform_indices = @transform_3, window_bounds = array<i64: 2048, 1>}, {transform_indices = @transform_4, window_bounds = array<i64: 2048, 128>}]} {
    %get3A = arith.constant 0 : index
    %get3A_0 = arith.constant 0 : index
    %get3A_1 = vector.load %arg1[%get3A, %get3A_0] : memref<2048x2xf32, #tpu.memory_space<vmem>>, vector<2048x1xf32>
    %get3A_2 = arith.constant 0 : index
    %get3A_3 = arith.constant 1 : index
    %get3A_4 = vector.load %arg1[%get3A_2, %get3A_3] : memref<2048x2xf32, #tpu.memory_space<vmem>>, vector<2048x1xf32>
    %add3A = arith.addf %get3A_1, %get3A_4 : vector<2048x1xf32>
    %add3A_5 = arith.constant 1.000000e+00 : f32
    %add3A_6 = vector.broadcast %add3A_5 : f32 to vector<2048x1xf32>
    %add3A_7 = arith.addf %add3A, %add3A_6 : vector<2048x1xf32>
    %rsqrt3A = math.rsqrt %add3A_7 : vector<2048x1xf32>
    %swap3A = arith.constant 0 : index
    %swap3A_8 = arith.constant 0 : index
    %swap3A_9 = vector.load %arg4[%swap3A, %swap3A_8] : memref<2048x1xf32, #tpu.memory_space<vmem>>, vector<2048x1xf32>
    tpu.vector_store %arg4[%swap3A, %swap3A_8], %rsqrt3A {strides = array<i32>} : memref<2048x1xf32, #tpu.memory_space<vmem>>, vector<2048x1xf32>,
    %get3A_10 = arith.constant 0 : index
    %get3A_11 = arith.constant 0 : index
    %get3A_12 = vector.load %arg2[%get3A_10, %get3A_11] : memref<2048x128xf32, #tpu.memory_space<vmem>>, vector<2048x128xf32>
    %get3A_13 = arith.constant 0 : index
    %get3A_14 = arith.constant 0 : index
    %get3A_15 = vector.load %arg3[%get3A_13, %get3A_14] : memref<128x128xf32, #tpu.memory_space<vmem>>, vector<128x128xf32>
    %dot_general3A = arith.constant dense<0.000000e+00> : vector<2048x128xf32>
    %dot_general3A_16 = tpu.matmul %get3A_12, %get3A_15, %dot_general3A {dimension_numbers = #tpu.dot_dimension_numbers<[1], [0], [0], [1], [0, 0, 1, 1], [], []>, transpose_lhs_hint = false} : vector<2048x128xf32>, vector<128x128xf32>, vector<2048x128xf32> -> vector<2048x128xf32>
    %mul3A = vector.broadcast %rsqrt3A : vector<2048x1xf32> to vector<2048x128xf32>
    %mul3A_17 = arith.mulf %dot_general3A_16, %mul3A : vector<2048x128xf32>
    %swap3A_18 = arith.constant 0 : index
    %swap3A_19 = arith.constant 0 : index
    %swap3A_20 = vector.load %arg5[%swap3A_18, %swap3A_19] : memref<2048x128xf32, #tpu.memory_space<vmem>>, vector<2048x128xf32>
    tpu.vector_store %arg5[%swap3A_18, %swap3A_19], %mul3A_17 {strides = array<i32>} : memref<2048x128xf32, #tpu.memory_space<vmem>>, vector<2048x128xf32>,
    return
  }
  func.func @transform_0(%arg0: i32) -> (i32, i32) {
    %c0_i32 = arith.constant 0 : i32
    %c0_i32_0 = arith.constant 0 : i32
    return %arg0, %c0_i32 : i32, i32
  }
  func.func @transform_1(%arg0: i32) -> (i32, i32) {
    %c0_i32 = arith.constant 0 : i32
    %c0_i32_0 = arith.constant 0 : i32
    return %arg0, %c0_i32 : i32, i32
  }
  func.func @transform_2(%arg0: i32) -> (i32, i32) {
    %c0_i32 = arith.constant 0 : i32
    %c0_i32_0 = arith.constant 0 : i32
    %c0_i32_1 = arith.constant 0 : i32
    return %c0_i32, %c0_i32_0 : i32, i32
  }
  func.func @transform_3(%arg0: i32) -> (i32, i32) {
    %c0_i32 = arith.constant 0 : i32
    %c0_i32_0 = arith.constant 0 : i32
    return %arg0, %c0_i32 : i32, i32
  }
  func.func @transform_4(%arg0: i32) -> (i32, i32) {
    %c0_i32 = arith.constant 0 : i32
    %c0_i32_0 = arith.constant 0 : i32
    return %arg0, %c0_i32 : i32, i32
  }
}

module attributes {stable_mosaic.version = 14 : i64} {
  func.func @_tc2_body(%arg0: i32, %arg1: memref<2048x128xf32, #tpu.memory_space<vmem>>, %arg2: memref<2048x128xf32, #tpu.memory_space<vmem>>, %arg3: memref<2048x1xf32, #tpu.memory_space<vmem>>, %arg4: memref<1x128xf32, #tpu.memory_space<vmem>>, %arg5: memref<128x64xf32, #tpu.memory_space<vmem>>, %arg6: memref<2048x64xf32, #tpu.memory_space<vmem>>) attributes {dimension_semantics = [#tpu.dimension_semantics<arbitrary>], iteration_bounds = array<i64: 5>, scalar_prefetch = 0 : i64, scratch_operands = 0 : i64, tpu.core_type = #tpu.core_type<tc>, window_params = [{transform_indices = @transform_0, window_bounds = array<i64: 2048, 128>}, {transform_indices = @transform_1, window_bounds = array<i64: 2048, 128>}, {transform_indices = @transform_2, window_bounds = array<i64: 2048, 1>}, {pipeline_mode = #tpu.pipeline_mode<synchronous>, transform_indices = @transform_3, window_bounds = array<i64: 1, 128>}, {pipeline_mode = #tpu.pipeline_mode<synchronous>, transform_indices = @transform_4, window_bounds = array<i64: 128, 64>}, {transform_indices = @transform_5, window_bounds = array<i64: 2048, 64>}]} {
    %get3A = arith.constant 0 : index
    %get3A_0 = arith.constant 0 : index
    %get3A_1 = vector.load %arg1[%get3A, %get3A_0] : memref<2048x128xf32, #tpu.memory_space<vmem>>, vector<2048x128xf32>
    %get3A_2 = arith.constant 0 : index
    %get3A_3 = arith.constant 0 : index
    %get3A_4 = vector.load %arg2[%get3A_2, %get3A_3] : memref<2048x128xf32, #tpu.memory_space<vmem>>, vector<2048x128xf32>
    %add3A = arith.addf %get3A_1, %get3A_4 : vector<2048x128xf32>
    %get3A_5 = arith.constant 0 : index
    %get3A_6 = arith.constant 0 : index
    %get3A_7 = vector.load %arg3[%get3A_5, %get3A_6] : memref<2048x1xf32, #tpu.memory_space<vmem>>, vector<2048x1xf32>
    %mul3A = vector.broadcast %get3A_7 : vector<2048x1xf32> to vector<2048x128xf32>
    %mul3A_8 = arith.mulf %add3A, %mul3A : vector<2048x128xf32>
    %get3A_9 = arith.constant 0 : index
    %get3A_10 = arith.constant 0 : index
    %get3A_11 = vector.load %arg4[%get3A_9, %get3A_10] : memref<1x128xf32, #tpu.memory_space<vmem>>, vector<1x128xf32>
    %add3A_12 = vector.broadcast %get3A_11 : vector<1x128xf32> to vector<2048x128xf32>
    %add3A_13 = arith.addf %mul3A_8, %add3A_12 : vector<2048x128xf32>
    %max3A = arith.constant 0.000000e+00 : f32
    %max3A_14 = vector.broadcast %max3A : f32 to vector<2048x128xf32>
    %max3A_15 = arith.maximumf %add3A_13, %max3A_14 : vector<2048x128xf32>
    %get3A_16 = arith.constant 0 : index
    %get3A_17 = arith.constant 0 : index
    %get3A_18 = vector.load %arg5[%get3A_16, %get3A_17] : memref<128x64xf32, #tpu.memory_space<vmem>>, vector<128x64xf32>
    %dot_general3A = arith.constant dense<0.000000e+00> : vector<2048x64xf32>
    %dot_general3A_19 = tpu.matmul %max3A_15, %get3A_18, %dot_general3A {dimension_numbers = #tpu.dot_dimension_numbers<[1], [0], [0], [1], [0, 0, 1, 1], [], []>, transpose_lhs_hint = false} : vector<2048x128xf32>, vector<128x64xf32>, vector<2048x64xf32> -> vector<2048x64xf32>
    %mul3A_20 = vector.broadcast %get3A_7 : vector<2048x1xf32> to vector<2048x64xf32>
    %mul3A_21 = arith.mulf %dot_general3A_19, %mul3A_20 : vector<2048x64xf32>
    %swap3A = arith.constant 0 : index
    %swap3A_22 = arith.constant 0 : index
    %swap3A_23 = vector.load %arg6[%swap3A, %swap3A_22] : memref<2048x64xf32, #tpu.memory_space<vmem>>, vector<2048x64xf32>
    tpu.vector_store %arg6[%swap3A, %swap3A_22], %mul3A_21 {strides = array<i32>} : memref<2048x64xf32, #tpu.memory_space<vmem>>, vector<2048x64xf32>,
    return
  }
  func.func @transform_0(%arg0: i32) -> (i32, i32) {
    %c0_i32 = arith.constant 0 : i32
    %c0_i32_0 = arith.constant 0 : i32
    return %arg0, %c0_i32 : i32, i32
  }
  func.func @transform_1(%arg0: i32) -> (i32, i32) {
    %add3A = arith.constant 5 : i32
    %add3A_0 = arith.addi %arg0, %add3A : i32
    %c0_i32 = arith.constant 0 : i32
    %c0_i32_1 = arith.constant 0 : i32
    return %add3A_0, %c0_i32 : i32, i32
  }
  func.func @transform_2(%arg0: i32) -> (i32, i32) {
    %c0_i32 = arith.constant 0 : i32
    %c0_i32_0 = arith.constant 0 : i32
    return %arg0, %c0_i32 : i32, i32
  }
  func.func @transform_3(%arg0: i32) -> (i32, i32) {
    %c0_i32 = arith.constant 0 : i32
    %c0_i32_0 = arith.constant 0 : i32
    %c0_i32_1 = arith.constant 0 : i32
    return %c0_i32, %c0_i32_0 : i32, i32
  }
  func.func @transform_4(%arg0: i32) -> (i32, i32) {
    %c0_i32 = arith.constant 0 : i32
    %c0_i32_0 = arith.constant 0 : i32
    %c0_i32_1 = arith.constant 0 : i32
    return %c0_i32, %c0_i32_0 : i32, i32
  }
  func.func @transform_5(%arg0: i32) -> (i32, i32) {
    %c0_i32 = arith.constant 0 : i32
    %c0_i32_0 = arith.constant 0 : i32
    return %arg0, %c0_i32 : i32, i32
  }
}

module attributes {stable_mosaic.version = 14 : i64} {
  func.func @_tc3_body(%arg0: i32, %arg1: memref<2048x64xf32, #tpu.memory_space<vmem>>, %arg2: memref<2048x64xf32, #tpu.memory_space<vmem>>, %arg3: memref<2048x1xf32, #tpu.memory_space<vmem>>, %arg4: memref<1x64xf32, #tpu.memory_space<vmem>>, %arg5: memref<2048x64xf32, #tpu.memory_space<vmem>>) attributes {dimension_semantics = [#tpu.dimension_semantics<arbitrary>], iteration_bounds = array<i64: 5>, scalar_prefetch = 0 : i64, scratch_operands = 0 : i64, tpu.core_type = #tpu.core_type<tc>, window_params = [{transform_indices = @transform_0, window_bounds = array<i64: 2048, 64>}, {transform_indices = @transform_1, window_bounds = array<i64: 2048, 64>}, {transform_indices = @transform_2, window_bounds = array<i64: 2048, 1>}, {pipeline_mode = #tpu.pipeline_mode<synchronous>, transform_indices = @transform_3, window_bounds = array<i64: 1, 64>}, {transform_indices = @transform_4, window_bounds = array<i64: 2048, 64>}]} {
    %get3A = arith.constant 0 : index
    %get3A_0 = arith.constant 0 : index
    %get3A_1 = vector.load %arg1[%get3A, %get3A_0] : memref<2048x64xf32, #tpu.memory_space<vmem>>, vector<2048x64xf32>
    %get3A_2 = arith.constant 0 : index
    %get3A_3 = arith.constant 0 : index
    %get3A_4 = vector.load %arg2[%get3A_2, %get3A_3] : memref<2048x64xf32, #tpu.memory_space<vmem>>, vector<2048x64xf32>
    %add3A = arith.addf %get3A_1, %get3A_4 : vector<2048x64xf32>
    %get3A_5 = arith.constant 0 : index
    %get3A_6 = arith.constant 0 : index
    %get3A_7 = vector.load %arg3[%get3A_5, %get3A_6] : memref<2048x1xf32, #tpu.memory_space<vmem>>, vector<2048x1xf32>
    %mul3A = vector.broadcast %get3A_7 : vector<2048x1xf32> to vector<2048x64xf32>
    %mul3A_8 = arith.mulf %add3A, %mul3A : vector<2048x64xf32>
    %get3A_9 = arith.constant 0 : index
    %get3A_10 = arith.constant 0 : index
    %get3A_11 = vector.load %arg4[%get3A_9, %get3A_10] : memref<1x64xf32, #tpu.memory_space<vmem>>, vector<1x64xf32>
    %add3A_12 = vector.broadcast %get3A_11 : vector<1x64xf32> to vector<2048x64xf32>
    %add3A_13 = arith.addf %mul3A_8, %add3A_12 : vector<2048x64xf32>
    %swap3A = arith.constant 0 : index
    %swap3A_14 = arith.constant 0 : index
    %swap3A_15 = vector.load %arg5[%swap3A, %swap3A_14] : memref<2048x64xf32, #tpu.memory_space<vmem>>, vector<2048x64xf32>
    tpu.vector_store %arg5[%swap3A, %swap3A_14], %add3A_13 {strides = array<i32>} : memref<2048x64xf32, #tpu.memory_space<vmem>>, vector<2048x64xf32>,
    return
  }
  func.func @transform_0(%arg0: i32) -> (i32, i32) {
    %c0_i32 = arith.constant 0 : i32
    %c0_i32_0 = arith.constant 0 : i32
    return %arg0, %c0_i32 : i32, i32
  }
  func.func @transform_1(%arg0: i32) -> (i32, i32) {
    %add3A = arith.constant 5 : i32
    %add3A_0 = arith.addi %arg0, %add3A : i32
    %c0_i32 = arith.constant 0 : i32
    %c0_i32_1 = arith.constant 0 : i32
    return %add3A_0, %c0_i32 : i32, i32
  }
  func.func @transform_2(%arg0: i32) -> (i32, i32) {
    %c0_i32 = arith.constant 0 : i32
    %c0_i32_0 = arith.constant 0 : i32
    return %arg0, %c0_i32 : i32, i32
  }
  func.func @transform_3(%arg0: i32) -> (i32, i32) {
    %c0_i32 = arith.constant 0 : i32
    %c0_i32_0 = arith.constant 0 : i32
    %c0_i32_1 = arith.constant 0 : i32
    return %c0_i32, %c0_i32_0 : i32, i32
  }
  func.func @transform_4(%arg0: i32) -> (i32, i32) {
    %c0_i32 = arith.constant 0 : i32
    %c0_i32_0 = arith.constant 0 : i32
    return %arg0, %c0_i32 : i32, i32
  }
}

</mosaic_0001>

<sc_bundles>
// kernel: kernel.11.cloned.1.call-start
scs
__scs_entry_jumppad:
0x0: {  	(pc) =	sbr.rel $0x88, $3  }
0x1: {  	(tag) =	ssettag $0x0;
	lr =	simm.s32 $0x1  }
0x2: {  	[smem:$0x3F9B] =	sst lr;
	_ =	strace $0xD0000000  }
0x3: {  	_ = 	snop  }
0x4: {  	_ = 	snop  }
0x5: {  	_ = 	snop  }
0x6: {  	_ = 	snop  }
0x7: {  	_ = 	snop  }
__scs_overlays_trampoline_lowered:
0x8: {  	[smem:$0x3FAA] =	sst s0  }
0x9: {  	[smem:$0x3FAB] =	sst s1  }
0xa: {  	[smem:$0x3FAC] =	sst s2  }
0xb: {  	[smem:$0x3FAD] =	sst s3  }
0xc: {  	[smem:$0x3FAE] =	sst s4  }
0xd: {  	[smem:$0x3FAF] =	sst s5  }
0xe: {  	[smem:$0x3FB0] =	sst s6  }
0xf: {  	[smem:$0x3FB1] =	sst s7  }
0x10: {  	[smem:$0x3FB2] =	sst s8  }
0x11: {  	[smem:$0x3FB3] =	sst s9;
	s0 =	simm.s32 @!p0 $0x0  }
0x12: {  	s1 =	sld [smem:$0x3F99];
	s0 =	simm.s32 @p0 $0x1  }
0x13: {  	[smem:$0x3FB4] =	sst s0;
	s0 =	simm.s32 @!p1 $0x0  }
0x14: {  	s2 =	sld [smem:$0x3F98];
	s0 =	simm.s32 @p1 $0x1  }
0x15: {  	[smem:$0x3FB5] =	sst s0;
	s0 =	simm.s32 @!p2 $0x0  }
0x16: {  	s3 =	sld [smem:$0x3FDB];
	s0 =	simm.s32 @p2 $0x1  }
0x17: {  	s4 =	simm.s32 $0x1BF5;
	[smem:$0x3FB7] =	sst s0  }
0x18: {  	s0 =	sld [smem:$0x3F9A];
	_ =	swait.ge [sflag:s4], $0x0  }
0x19: {  	s7 =	sld [smem:$0x3F9B]  }
0x1a: {  	s8 =	sadd.s32 $0xFFFFE003, lr  }
0x1b: {  	s9 =	sadd.s32 $0xFFFFFEF7, lr;
	s5 =	simm.s32 $0xFFFFFFFF;
	p2 =	slt.u32 s8, $0xFFFFF086  }
0x1c: {  	p1 =	slt.u32 s9, $0xF7A;
	s5 =	simm.s32 @!p2 $0x0  }
0x1d: {  	s5 =	simm.s32 @p1 $0x1;
	p0 =	seq.s32 s7, s2  }
0x1e: {  	s7 =	smul.u32 @!p0 $0xF7A, s2;
	p2 =	seq.s32 @!p0 s5, $0x0  }
0x1f: {  	s9 =	smul.u32 $0xF7A, s1;
	s8 =	simm.s32 @!p0 $0x1BF5;
	p2 =	por !p2, p0  }
0x20: {  	[sflag:s8] =	ssyncset.s32 @!p0 $0xFFFFF086;
	s6 =	sadd.s32 @!p0 s3, s7;
	s7 =	simm.s32 @!p0 $0x108  }
0x21: {  	s3 =	sadd.s32 s3, s9;
	s6 =	sadd.s32 @!p0 $0x88, s6;
	s7 =	simm.s32 @p2 $0x1082  }
0x22: {  	[simem:s7], [sflag:s8] =	dma.local @!p0 [hbm:s6], $0xF7A  }
0x23: {  	s9 =	sor.u32 $0xD0000000, s2;
	s6 =	simm.s32 $0x108;
	_ =	swait.ge @!p0 [sflag:s8], $0x0  }
0x24: {  	s3 =	sadd.s32 $0x88, s3;
	s6 =	simm.s32 @!p1 $0x1082;
	[sflag:s4] =	ssyncset.s32 $0xFFFFF086  }
0x25: {  	[simem:s6], [sflag:s4] =	dma.local [hbm:s3], $0xF7A  }
0x26: {  	[smem:$0x3F9B] =	sst s1;
	(tag) =	ssettag s2;
	_ =	strace s9  }
0x27: {  	s1 =	sld [smem:$0x3FAB]  }
0x28: {  	s2 =	sld [smem:$0x3FAC]  }
0x29: {  	s4 =	sld [smem:$0x3FAE]  }
0x2a: {  	p0 =	seq.s32 s5, $0x0;
	s5 =	sld [smem:$0x3FAF]  }
0x2b: {  	s6 =	sld [smem:$0x3FB0]  }
0x2c: {  	s7 =	sld [smem:$0x3FB1]  }
0x2d: {  	s3 =	simm.s32 $0x108;
	s8 =	sld [smem:$0x3FB2]  }
0x2e: {  	s3 =	simm.s32 @!p0 $0x1082;
	s9 =	sld [smem:$0x3FB3]  }
0x2f: {  	lr =	sadd.s32 s0, s3;
	s0 =	sld [smem:$0x3FAA]  }
0x30: {  	s3 =	sld [smem:$0x3FAD]  }
0x31: {  	[smem:$0x3FB6] =	sst s10  }
0x32: {  	s10 =	sld [smem:$0x3FB4];
	_ =	sdelay $0x3  }
0x33: {  	p0 =	seq.s32 s10, $0x1;
	s10 =	sld [smem:$0x3FB6];
	_ =	sdelay $0x3  }
0x34: {  	[smem:$0x3FB6] =	sst s10  }
0x35: {  	s10 =	sld [smem:$0x3FB5];
	_ =	sdelay $0x3  }
0x36: {  	p1 =	seq.s32 s10, $0x1;
	s10 =	sld [smem:$0x3FB6];
	_ =	sdelay $0x3  }
0x37: {  	[smem:$0x3FB6] =	sst s10  }
0x38: {  	s10 =	sld [smem:$0x3FB7]  }
0x39: {  	_ = 	snop;
	(pc) =	sbr.ind lr, $3  }
0x3a: {  	_ = 	snop  }
0x3b: {  	_ = 	snop  }
0x3c: {  	p2 =	seq.s32 s10, $0x1;
	s10 =	sld [smem:$0x3FB6]  }
0x3d: {  	_ =	shalt  }
0x3e: {  	_ =	shalt  }
0x3f: {  	_ =	shalt  }
0x40: {  	_ =	shalt  }
0x41: {  	_ =	shalt  }
0x42: {  	_ =	shalt  }
0x43: {  	_ =	shalt  }
0x44: {  	_ =	shalt  }
0x45: {  	_ =	shalt  }
0x46: {  	_ =	shalt  }
0x47: {  	_ =	shalt  }
0x48: {  	_ =	shalt  }
0x49: {  	_ =	shalt  }
0x4a: {  	_ =	shalt  }
0x4b: {  	_ =	shalt  }
0x4c: {  	_ =	shalt  }
0x4d: {  	_ =	shalt  }
0x4e: {  	_ =	shalt  }
0x4f: {  	_ =	shalt  }
0x50: {  	_ =	shalt  }
0x51: {  	_ =	shalt  }
0x52: {  	_ =	shalt  }
0x53: {  	_ =	shalt  }
0x54: {  	_ =	shalt  }
0x55: {  	_ =	shalt  }
0x56: {  	_ =	shalt  }
0x57: {  	_ =	shalt  }
0x58: {  	_ =	shalt  }
0x59: {  	_ =	shalt  }
0x5a: {  	_ =	shalt  }
0x5b: {  	_ =	shalt  }
0x5c: {  	_ =	shalt  }
0x5d: {  	_ =	shalt  }
0x5e: {  	_ =	shalt  }
0x5f: {  	_ =	shalt  }
0x60: {  	_ =	shalt  }
0x61: {  	_ =	shalt  }
0x62: {  	_ =	shalt  }
0x63: {  	_ =	shalt  }
0x64: {  	_ =	shalt  }
0x65: {  	_ =	shalt  }
0x66: {  	_ =	shalt  }
0x67: {  	_ =	shalt  }
0x68: {  	_ =	shalt  }
0x69: {  	_ =	shalt  }
0x6a: {  	_ =	shalt  }
0x6b: {  	_ =	shalt  }
0x6c: {  	_ =	shalt  }
0x6d: {  	_ =	shalt  }
0x6e: {  	_ =	shalt  }
0x6f: {  	_ =	shalt  }
0x70: {  	_ =	shalt  }
0x71: {  	_ =	shalt  }
0x72: {  	_ =	shalt  }
0x73: {  	_ =	shalt  }
0x74: {  	_ =	shalt  }
0x75: {  	_ =	shalt  }
0x76: {  	_ =	shalt  }
0x77: {  	_ =	shalt  }
0x78: {  	_ =	shalt  }
0x79: {  	_ =	shalt  }
0x7a: {  	_ =	shalt  }
0x7b: {  	_ =	shalt  }
0x7c: {  	_ =	shalt  }
0x7d: {  	_ =	shalt  }
0x7e: {  	_ =	shalt  }
0x7f: {  	_ =	shalt  }
0x80: {  	_ =	shalt  }
0x81: {  	_ =	shalt  }
0x82: {  	_ =	shalt  }
0x83: {  	_ =	shalt  }
0x84: {  	_ =	shalt  }
0x85: {  	_ =	shalt  }
0x86: {  	_ =	shalt  }
0x87: {  	_ =	shalt  }
.Lfunc_end0:
.L_simem_size_0:
called_computation.1_lowered:
.L_overlay_start_0:
0x88: {  	s2 =	sld [smem:$0x3FD9]  }
0x89: {  	s3 =	sld [smem:$0x3FFE];
	_ =	sdelay $0x1  }
0x8a: {  	s1 =	srdreg.scid  }
0x8b: {  	s0 =	sand.u32 $0x1, s1  }
0x8c: {  	s16 =	sshll.u32 s0, $0xA;
	s2 =	sadd.s32 s3, s2  }
0x8d: {  	s2 =	sadd.s32 s2, s16  }
0x8e: {  	[smem:$0x3FC2] =	sst s2  }
0x8f: {  	_ = 	snop  }
0x90: {  	(tm) =	ssettm $0x1  }
0x91: {  	s17 =	sld [smem:$0x3FFB];
	_ =	sdelay $0x3  }
0x92: {  	_ =	strace s17  }
0x93: {  	s2 =	sld [smem:$0x3FFC];
	_ =	sdelay $0x3  }
0x94: {  	_ =	strace s2  }
0x95: {  	s2 =	sld [smem:$0x3FFD];
	_ =	sdelay $0x3  }
0x96: {  	_ =	strace s2  }
0x97: {  	_ =	strace $0x8FFFFFFF  }
0x98: {  	s18 =	sld [smem:$0x3FDB];
	_ =	sdelay $0x1  }
0x99: {  	s19 =	simm.s32 $_scs_section_size  }
0x9a: {  	s4 =	simm.s32 $_size__tile_overlayer_lowered;
	s5 =	simm.s32 $_tile_overlayer_lowered  }
0x9b: {  	s22 =	simm.s32 $0x1BFF;
	s21 =	sshll.u32 s5, $0x1;
	s2 =	sadd.s32 s19, s18  }
0x9c: {  	s6 =	simm.s32 $0x0;
	s20 =	sshll.u32 s4, $0x1;
	s4 =	sadd.s32 s21, s2  }
0x9d: {  	[timem:s6], [sflag:s22] =	dma.local [hbm:s4], s20  }
0x9e: {  	_ =	swait.ge [sflag:s22], s20  }
0x9f: {  	s3 =	ssub.s32 $0x0, s20;
	[sflag:s22] =	ssyncset.done $0x0  }
0xa0: {  	[sflag:s22] =	ssyncadd.s32 s3;
	_ =	sdelay $0x1  }
0xa1: {  	s23 =	simm.s32 $0x1B8B  }
0xa2: {  	_ =	swait.ge [sflag:s23], $0x1  }
0xa3: {  	[sflag:s23] =	ssyncset.done $0x0  }
0xa4: {  	s25 =	simm.s32 $0x1B8E;
	s24 =	sld [smem:$0x3FFE];
	[sflag:s23] =	ssyncadd.s32 $0xFFFFFFFF  }
0xa5: {  	s26 =	simm.s32 $execute0_lowered;
	[smem:$0x3FD2] =	sst s25  }
0xa6: {  	s4 =	sshll.u32 s26, $0x1;
	_ =	strace $0x80000049;
	[dreg:$0x1] =	wrdreg $0xFFFFFFFF  }
0xa7: {  	s28 =	simm.s32 $_size_execute0_lowered;
	s2 =	sadd.s32 s2, s4;
	[dreg:$0x0] =	wrdreg $0x0  }
0xa8: {  	s4 =	sshll.u32 s28, $0x1;
	[dreg:$0x2] =	wrdreg s2  }
0xa9: {  	[dreg:$0x3] =	wrdreg s4  }
0xaa: {  	[dreg:$0x4] =	wrdreg $0xC0  }
0xab: {  	_ =	task [dreg:s6], $0x5FFFF  }
0xac: {  	[dreg:$0x1] =	wrdreg $0xFFFFFFFF  }
0xad: {  	[dreg:$0x0] =	wrdreg $0x60  }
0xae: {  	[dreg:$0x2] =	wrdreg s24  }
0xaf: {  	[dreg:$0x3] =	wrdreg $0xA8000  }
0xb0: {  	[dreg:$0x4] =	wrdreg $0x9  }
0xb1: {  	_ =	task.clear_ibuf [dreg:s6], $0x5FFFF;
	_ =	strace $0x90000049  }
0xb2: {  	s29 =	simm.s32 $0x9;
	_ =	strace $0x8000004B  }
0xb3: {  	_ =	swait.ge [sflag:s29], $0x1  }
0xb4: {  	[sflag:s29] =	ssyncadd.s32 $0xFFFFFFFF  }
0xb5: {  	_ =	strace $0x9000004B  }
0xb6: {  	_ =	sfence  }
0xb7: {  	s30 =	sld [smem:$0x0];
	_ =	sdelay $0x2  }
0xb8: {  	s31 =	sshll.u32 s1, $0xD;
	s1 =	sshrl.u32 s1, $0x2  }
0xb9: {  	s3 =	sand.u32 $0x4000, s31;
	s1 =	sadd.s32 s1, s30  }
0xba: {  	s0 =	sor.u32 s3, s0;
	s1 =	sshll.u32 s1, $0x11  }
0xbb: {  	s0 =	sor.u32 s1, s0  }
0xbc: {  	s0 =	sadd.s32 $0x8F2B, s0  }
0xbd: {  	[sflag:s0] =	ssyncadd.remote.s32 $0x1  }
0xbe: {  	_ =	sfence.sel $0xFFFF  }
0xbf: {  	[dreg:$0x0] =	wrdreg $0xFFFFFFFF;
	(pc) =	sbr.abs _section_cstart, $3  }
0xc0: {  	[dreg:$0x1] =	wrdreg $0xFFFFFFFF  }
0xc1: {  	_ =	task.clear_ibuf [dreg:s6], $0x2FFFF;
	_ =	strace $0x9FFFFFFF  }
0xc2: {  	(tm) =	ssettm $0x7FFFFFFF  }
0xc3: {  	_ =	shalt  }
tec
execute0_lowered:
.L_overlay_start_1:
0x0: {  	(tag) =	ssettag $0x1  }
0x1: {  	s5 =	rddreg [dreg:$0x0]  }
0x2: {  	s1 =	rddreg [dreg:$0x1]  }
0x3: {  	s0 =	rddreg [dreg:$0x2]  }
0x4: {  	s2 =	simm.s32 $0x0;
	s6 =	srdreg.scid;
	s3 =	stileid.u32  }
0x5: {  	s18 =	simm.s32 $0x6800;
	s19 =	simm.s32 $0x1;
	s20 =	simm.s32 $0x2  }
0x6: {  	s21 =	simm.s32 $0x2700;
	s22 =	simm.s32 $0x2780;
	s23 =	simm.s32 $0x0  }
0x7: {  	[smem:$0x7FF] =	sst s2;
	s4 =	sadd.s32 $0x15E00, s5;
	s8 =	sadd.s32 $0xBE00, s5  }
0x8: {  	s11 =	sand.u32 $0x1, s6;
	s26 =	smul.u32 $0x2800, s3;
	s9 =	sadd.s32 $0x1E00, s5  }
0x9: {  	s10 =	sshll.u32 s3, $0x1;
	s13 =	smul.u32 $0x50000, s3;
	s16 =	sadd.s32 $0x3DE00, s5  }
0xa: {  	s31 =	sshll.u32 s3, $0x6;
	_ =	strace $0x8000004A;
	s7 =	smul.u32 $0x28000, s11  }
0xb: {  	s12 =	ssub.s32 $0x2, s11;
	s10 =	sor.u32 s11, s10;
	p0 =	sne.s32 s11, $0x0  }
0xc: {  	s14 =	sshrl.u32 s12, $0x1;
	s15 =	smul.u32 $0x2800, s10;
	s28 =	sshrl.u32 s13, $0x2  }
0xd: {  	s29 =	smul.u32 $0x500, s10;
	s7 =	sadd.s32 s26, s7;
	s12 =	ssub.s32 s12, s14  }
0xe: {  	s13 =	sadd.s32 s28, s1;
	s14 =	simm.s32 $0x3;
	s17 =	sadd.s32 s7, s5  }
0xf: {  	s30 =	sshrl.u32 s15, $0x3;
	s5 =	sadd.s32 s4, s26;
	s6 =	sadd.s32 s8, s29  }
0x10: {  	s7 =	sadd.s32 s9, s29;
	s11 =	smax.u32 s12, $0x1;
	s12 =	sor.u32 $0x1C03, s31  }
0x11: {  	s13 =	sshrl.u32 s13, $0x3;
	s15 =	simm.s32 $0x1400;
	s10 =	sadd.s32 $0x280, s30  }
0x12: {  	s5 =	smov.u32 @p0 s16;
	s16 =	simm.s32 $0x80;
	s8 =	sadd.s32 s8, s10  }
0x13: {  	s9 =	sadd.s32 s9, s10;
	s10 =	sadd.s32 $0x40600, s17;
	s17 =	simm.s32 $0x2800  }
.LBB2_1:
0x14: {  	[spmem:s13], [sflag:s12] =	dma.local [hbm:s5], $0x2800  }
0x15: {  	_ =	swait.ge [sflag:s14], $0x2800  }
0x16: {  	[sflag:s14] =	ssyncset.done $0x0  }
0x17: {  	[sflag:s14] =	ssyncadd.s32 $0xFFFFD800  }
0x18: {  	[bflag:$0x0] =	sbarrier.arrive $0xFFFF  }
0x19: {  	[tilespmem:s2], [sflag:$0x3] =	stream.linear.gather [hbm4b:s6+s2], $0x1400, $0x38;
	[tilespmem:$0x1E800] =	vst v63  }
0x1a: {  	_ =	swait.ge [sflag:s14], $0x1400  }
0x1b: {  	[sflag:s14] =	ssyncset.done $0x0  }
0x1c: {  	[sflag:s14] =	ssyncadd.s32 $0xFFFFEC00  }
0x1d: {  	[tilespmem:s15], [sflag:$0x3] =	stream.linear.gather [hbm4b:s7+s2], $0x1400, $0x38;
	[tilespmem:$0x1E800] =	vst v63  }
0x1e: {  	_ =	swait.ge [sflag:s14], $0x1400  }
0x1f: {  	[sflag:s14] =	ssyncset.done $0x0  }
0x20: {  	[sflag:s14] =	ssyncadd.s32 $0xFFFFEC00  }
0x21: {  	[tilespmem:s17], [sflag:$0x1] =	stream.indirect.gather [hbm4b:s4+s16], $0x80, s2, s16, $0xb8;
	[tilespmem:$0x1E800] =	vst v63  }
0x22: {  	_ = 	snop  }
0x23: {  	[tilespmem:s18], [sflag:$0x2] =	stream.indirect.gather [hbm4b:s4+s16], $0x80, s16, s16, $0xb8;
	[tilespmem:$0x1E800] =	vst v63  }
0x24: {  	_ =	swait.ge [sflag:s19], $0x4000  }
0x25: {  	[sflag:s19] =	ssyncset.done $0x0  }
0x26: {  	s24 =	simm.s32 $0x1400;
	[sflag:s19] =	ssyncadd.s32 $0xFFFFC000  }
0x27: {  	[spmem:s1] =	stream.indirect.scatter.add.f32 [tilespmem:s17], [sflag:$0x3], $0x80, s24, s16, $0xb8;
	[tilespmem:$0x1E800] =	vst v63  }
0x28: {  	_ =	swait.ge [sflag:s14], $0x4000  }
0x29: {  	[sflag:s14] =	ssyncset.done $0x0  }
0x2a: {  	s30 =	simm.s32 $0x100;
	[sflag:s14] =	ssyncadd.s32 $0xFFFFC000  }
0x2b: {  	[tilespmem:s17], [sflag:$0x1] =	stream.indirect.gather [hbm4b:s4+s16], $0x80, s30, s16, $0xb8;
	[tilespmem:$0x1E800] =	vst v63  }
0x2c: {  	_ =	swait.ge [sflag:s20], $0x4000  }
0x2d: {  	[sflag:s20] =	ssyncset.done $0x0  }
0x2e: {  	s31 =	simm.s32 $0x1480;
	[sflag:s20] =	ssyncadd.s32 $0xFFFFC000  }
0x2f: {  	[spmem:s1] =	stream.indirect.scatter.add.f32 [tilespmem:s18], [sflag:$0x3], $0x80, s31, s16, $0xb8;
	[tilespmem:$0x1E800] =	vst v63  }
0x30: {  	_ =	swait.ge [sflag:s14], $0x4000  }
0x31: {  	[sflag:s14] =	ssyncset.done $0x0  }
0x32: {  	s25 =	simm.s32 $0x180;
	s24 =	simm.s32 $0x400;
	[sflag:s14] =	ssyncadd.s32 $0xFFFFC000  }
.LBB2_2:
0x33: {  	[tilespmem:s18], [sflag:$0x2] =	stream.indirect.gather [hbm4b:s4+s16], $0x80, s25, s16, $0xb8;
	[tilespmem:$0x1E800] =	vst v63  }
0x34: {  	s25 =	smov.u32 s24  }
0x35: {  	p0 =	sne.s32 s24, $0x4800;
	s24 =	sadd.s32 $0x400, s24;
	_ =	swait.ge [sflag:s19], $0x4000  }
0x36: {  	s25 =	sshra.s32 s25, $0x2;
	[sflag:s19] =	ssyncset.done $0x0  }
0x37: {  	s26 =	sadd.s32 $0x1400, s25;
	[sflag:s19] =	ssyncadd.s32 $0xFFFFC000  }
0x38: {  	[spmem:s1] =	stream.indirect.scatter.add.f32 [tilespmem:s17], [sflag:$0x3], $0x80, s26, s16, $0xb8;
	[tilespmem:$0x1E800] =	vst v63  }
0x39: {  	_ =	swait.ge [sflag:s14], $0x4000  }
0x3a: {  	[sflag:s14] =	ssyncset.done $0x0  }
0x3b: {  	s26 =	sadd.s32 $0x100, s25;
	[sflag:s14] =	ssyncadd.s32 $0xFFFFC000  }
0x3c: {  	[tilespmem:s17], [sflag:$0x1] =	stream.indirect.gather [hbm4b:s4+s16], $0x80, s26, s16, $0xb8;
	[tilespmem:$0x1E800] =	vst v63  }
0x3d: {  	_ =	swait.ge [sflag:s20], $0x4000  }
0x3e: {  	[sflag:s20] =	ssyncset.done $0x0  }
.Ltmp0:
0x3f: {  	s26 =	sadd.s32 $0x1480, s25;
	[sflag:s20] =	ssyncadd.s32 $0xFFFFC000;
	(pc) =	sbr.rel @p0 .LBB2_2-.Ltmp0, $4  }
0x40: {  	[spmem:s1] =	stream.indirect.scatter.add.f32 [tilespmem:s18], [sflag:$0x3], $0x80, s26, s16, $0xb8;
	[tilespmem:$0x1E800] =	vst v63  }
0x41: {  	_ =	swait.ge [sflag:s14], $0x4000  }
0x42: {  	[sflag:s14] =	ssyncset.done $0x0  }
0x43: {  	s25 =	sadd.s32 $0x180, s25;
	[sflag:s14] =	ssyncadd.s32 $0xFFFFC000  }
0x44: {  	[tilespmem:s18], [sflag:$0x2] =	stream.indirect.gather [hbm4b:s4+s16], $0x80, s25, s16, $0xb8;
	[tilespmem:$0x1E800] =	vst v63  }
0x45: {  	_ =	swait.ge [sflag:s19], $0x4000  }
0x46: {  	[sflag:s19] =	ssyncset.done $0x0  }
0x47: {  	[sflag:s19] =	ssyncadd.s32 $0xFFFFC000  }
0x48: {  	[spmem:s1] =	stream.indirect.scatter.add.f32 [tilespmem:s17], [sflag:$0x3], $0x80, s21, s16, $0xb8;
	[tilespmem:$0x1E800] =	vst v63  }
0x49: {  	_ =	swait.ge [sflag:s14], $0x4000  }
0x4a: {  	[sflag:s14] =	ssyncset.done $0x0  }
0x4b: {  	[sflag:s14] =	ssyncadd.s32 $0xFFFFC000  }
0x4c: {  	_ =	swait.ge [sflag:s20], $0x4000  }
0x4d: {  	[sflag:s20] =	ssyncset.done $0x0  }
0x4e: {  	[sflag:s20] =	ssyncadd.s32 $0xFFFFC000  }
0x4f: {  	[spmem:s1] =	stream.indirect.scatter.add.f32 [tilespmem:s18], [sflag:$0x3], $0x80, s22, s16, $0xb8;
	[tilespmem:$0x1E800] =	vst v63  }
0x50: {  	_ =	swait.ge [sflag:s14], $0x4000  }
0x51: {  	[sflag:s14] =	ssyncset.done $0x0  }
0x52: {  	s24 =	simm.s32 $0x0;
	[sflag:s14] =	ssyncadd.s32 $0xFFFFC000  }
0x53: {  	[tilespmem:s24], [sflag:$0x3] =	stream.linear.gather [hbm4b:s8+s24], $0x1400, $0x38;
	[tilespmem:$0x1E800] =	vst v63  }
0x54: {  	_ =	swait.ge [sflag:s14], $0x1400  }
0x55: {  	[sflag:s14] =	ssyncset.done $0x0  }
0x56: {  	[sflag:s14] =	ssyncadd.s32 $0xFFFFEC00  }
0x57: {  	[tilespmem:s15], [sflag:$0x3] =	stream.linear.gather [hbm4b:s9+s24], $0x1400, $0x38;
	[tilespmem:$0x1E800] =	vst v63  }
0x58: {  	_ =	swait.ge [sflag:s14], $0x1400  }
0x59: {  	[sflag:s14] =	ssyncset.done $0x0  }
0x5a: {  	[sflag:s14] =	ssyncadd.s32 $0xFFFFEC00  }
0x5b: {  	[tilespmem:s17], [sflag:$0x1] =	stream.indirect.gather [hbm4b:s4+s16], $0x80, s24, s16, $0xb8;
	[tilespmem:$0x1E800] =	vst v63  }
0x5c: {  	_ = 	snop  }
0x5d: {  	[tilespmem:s18], [sflag:$0x2] =	stream.indirect.gather [hbm4b:s4+s16], $0x80, s16, s16, $0xb8;
	[tilespmem:$0x1E800] =	vst v63  }
0x5e: {  	_ =	swait.ge [sflag:s19], $0x4000  }
0x5f: {  	[sflag:s19] =	ssyncset.done $0x0  }
0x60: {  	s29 =	simm.s32 $0x1400;
	[sflag:s19] =	ssyncadd.s32 $0xFFFFC000  }
0x61: {  	[spmem:s1] =	stream.indirect.scatter.add.f32 [tilespmem:s17], [sflag:$0x3], $0x80, s29, s16, $0xb8;
	[tilespmem:$0x1E800] =	vst v63  }
0x62: {  	_ =	swait.ge [sflag:s14], $0x4000  }
0x63: {  	[sflag:s14] =	ssyncset.done $0x0  }
0x64: {  	s30 =	simm.s32 $0x100;
	[sflag:s14] =	ssyncadd.s32 $0xFFFFC000  }
0x65: {  	[tilespmem:s17], [sflag:$0x1] =	stream.indirect.gather [hbm4b:s4+s16], $0x80, s30, s16, $0xb8;
	[tilespmem:$0x1E800] =	vst v63  }
0x66: {  	_ =	swait.ge [sflag:s20], $0x4000  }
0x67: {  	[sflag:s20] =	ssyncset.done $0x0  }
0x68: {  	s31 =	simm.s32 $0x1480;
	[sflag:s20] =	ssyncadd.s32 $0xFFFFC000  }
0x69: {  	[spmem:s1] =	stream.indirect.scatter.add.f32 [tilespmem:s18], [sflag:$0x3], $0x80, s31, s16, $0xb8;
	[tilespmem:$0x1E800] =	vst v63  }
0x6a: {  	_ =	swait.ge [sflag:s14], $0x4000  }
0x6b: {  	[sflag:s14] =	ssyncset.done $0x0  }
0x6c: {  	s25 =	simm.s32 $0x180;
	s24 =	simm.s32 $0x400;
	[sflag:s14] =	ssyncadd.s32 $0xFFFFC000  }
.LBB2_4:
0x6d: {  	[tilespmem:s18], [sflag:$0x2] =	stream.indirect.gather [hbm4b:s4+s16], $0x80, s25, s16, $0xb8;
	[tilespmem:$0x1E800] =	vst v63  }
0x6e: {  	s25 =	smov.u32 s24  }
0x6f: {  	p0 =	sne.s32 s24, $0x4800;
	s24 =	sadd.s32 $0x400, s24;
	_ =	swait.ge [sflag:s19], $0x4000  }
0x70: {  	s25 =	sshra.s32 s25, $0x2;
	[sflag:s19] =	ssyncset.done $0x0  }
0x71: {  	s26 =	sadd.s32 $0x1400, s25;
	[sflag:s19] =	ssyncadd.s32 $0xFFFFC000  }
0x72: {  	[spmem:s1] =	stream.indirect.scatter.add.f32 [tilespmem:s17], [sflag:$0x3], $0x80, s26, s16, $0xb8;
	[tilespmem:$0x1E800] =	vst v63  }
0x73: {  	_ =	swait.ge [sflag:s14], $0x4000  }
0x74: {  	[sflag:s14] =	ssyncset.done $0x0  }
0x75: {  	s26 =	sadd.s32 $0x100, s25;
	[sflag:s14] =	ssyncadd.s32 $0xFFFFC000  }
0x76: {  	[tilespmem:s17], [sflag:$0x1] =	stream.indirect.gather [hbm4b:s4+s16], $0x80, s26, s16, $0xb8;
	[tilespmem:$0x1E800] =	vst v63  }
0x77: {  	_ =	swait.ge [sflag:s20], $0x4000  }
0x78: {  	[sflag:s20] =	ssyncset.done $0x0  }
.Ltmp1:
0x79: {  	s26 =	sadd.s32 $0x1480, s25;
	[sflag:s20] =	ssyncadd.s32 $0xFFFFC000;
	(pc) =	sbr.rel @p0 .LBB2_4-.Ltmp1, $4  }
0x7a: {  	[spmem:s1] =	stream.indirect.scatter.add.f32 [tilespmem:s18], [sflag:$0x3], $0x80, s26, s16, $0xb8;
	[tilespmem:$0x1E800] =	vst v63  }
0x7b: {  	_ =	swait.ge [sflag:s14], $0x4000  }
0x7c: {  	[sflag:s14] =	ssyncset.done $0x0  }
0x7d: {  	s25 =	sadd.s32 $0x180, s25;
	[sflag:s14] =	ssyncadd.s32 $0xFFFFC000  }
0x7e: {  	[tilespmem:s18], [sflag:$0x2] =	stream.indirect.gather [hbm4b:s4+s16], $0x80, s25, s16, $0xb8;
	[tilespmem:$0x1E800] =	vst v63  }
0x7f: {  	_ =	swait.ge [sflag:s19], $0x4000  }
0x80: {  	[sflag:s19] =	ssyncset.done $0x0  }
0x81: {  	[sflag:s19] =	ssyncadd.s32 $0xFFFFC000  }
0x82: {  	[spmem:s1] =	stream.indirect.scatter.add.f32 [tilespmem:s17], [sflag:$0x3], $0x80, s21, s16, $0xb8;
	[tilespmem:$0x1E800] =	vst v63  }
0x83: {  	_ =	swait.ge [sflag:s14], $0x4000  }
0x84: {  	[sflag:s14] =	ssyncset.done $0x0  }
0x85: {  	[sflag:s14] =	ssyncadd.s32 $0xFFFFC000  }
0x86: {  	_ =	swait.ge [sflag:s20], $0x4000  }
0x87: {  	[sflag:s20] =	ssyncset.done $0x0  }
0x88: {  	[sflag:s20] =	ssyncadd.s32 $0xFFFFC000  }
0x89: {  	[spmem:s1] =	stream.indirect.scatter.add.f32 [tilespmem:s18], [sflag:$0x3], $0x80, s22, s16, $0xb8;
	[tilespmem:$0x1E800] =	vst v63  }
0x8a: {  	_ =	swait.ge [sflag:s14], $0x4000  }
0x8b: {  	s23 =	sadd.s32 $0x1, s23;
	[sflag:s14] =	ssyncset.done $0x0  }
0x8c: {  	p0 =	sne.s32 s23, s11;
	[sflag:s14] =	ssyncadd.s32 $0xFFFFC000  }
.Ltmp2:
0x8d: {  	[bflag:$0x0] =	sbarrier.arrive $0xFFFF;
	(pc) =	sbr.rel @p0 .LBB2_1-.Ltmp2, $4  }
0x8e: {  	[hbm:s10], [sflag:s12] =	dma.local [spmem:s13], $0x2800  }
0x8f: {  	_ =	swait.ge [sflag:s14], $0x2800  }
0x90: {  	[sflag:s14] =	ssyncset.done $0x0  }
0x91: {  	[sflag:s14] =	ssyncadd.s32 $0xFFFFD800  }
0x92: {  	_ =	sfence.sel $0x180000  }
0x93: {  	[bflag:$0x0] =	sbarrier.arrive $0xFFFF  }
0x94: {  	p0 =	sne.s32 s3, $0x0;
	_ =	strace $0x9000004A  }
0x95: {  	s0 =	sadd.s32 @!p0 $0x100000, s0;
	[bflag:$0x2] =	sbarrier.arrive $0xFFFF  }
0x96: {  	[sflag:s0] =	ssyncadd.tile.s32 @!p0 $0x1;
	_ =	shalt  }
.Lfunc_end2:
_tile_overlayer_lowered:
.L_overlay_start_2:
0x97: {  	(tag) =	ssettag $0x2  }
0x98: {  	s0 =	rddreg [dreg:$0x0];
	s2 =	stileid.u32  }
0x99: {  	s1 =	rddreg [dreg:$0x1];
	p0 =	sne.s32 s2, $0x0  }
0x9a: {  	s3 =	rddreg [dreg:$0x2];
	[bflag:$0x3] =	sbarrier.arrive $0xFFFF;
	s2 =	simm.s32 @!p0 $0x1C03  }
0x9b: {  	[timem:s3], [sflag:s2] =	dma.local @!p0 [hbm:s0], s1  }
0x9c: {  	s0 =	simm.s32 @!p0 $0x3  }
0x9d: {  	_ =	swait.ge @!p0 [sflag:s0], s1  }
0x9e: {  	s1 =	ssub.s32 @!p0 $0x0, s1;
	[sflag:s0] =	ssyncset.done @!p0 $0x0  }
0x9f: {  	[sflag:s0] =	ssyncadd.s32 @!p0 s1  }
0xa0: {  	[bflag:$0x3] =	sbarrier.arrive $0xFFFF  }
0xa1: {  	_ =	shalt  }

// kernel: kernel.14.cloned.1.call-start
scs
__scs_entry_jumppad:
0x0: {  	(pc) =	sbr.rel $0x88, $3  }
0x1: {  	(tag) =	ssettag $0x0;
	lr =	simm.s32 $0x1  }
0x2: {  	[smem:$0x3F9B] =	sst lr;
	_ =	strace $0xD0000000  }
0x3: {  	_ = 	snop  }
0x4: {  	_ = 	snop  }
0x5: {  	_ = 	snop  }
0x6: {  	_ = 	snop  }
0x7: {  	_ = 	snop  }
__scs_overlays_trampoline_lowered:
0x8: {  	[smem:$0x3FAA] =	sst s0  }
0x9: {  	[smem:$0x3FAB] =	sst s1  }
0xa: {  	[smem:$0x3FAC] =	sst s2  }
0xb: {  	[smem:$0x3FAD] =	sst s3  }
0xc: {  	[smem:$0x3FAE] =	sst s4  }
0xd: {  	[smem:$0x3FAF] =	sst s5  }
0xe: {  	[smem:$0x3FB0] =	sst s6  }
0xf: {  	[smem:$0x3FB1] =	sst s7  }
0x10: {  	[smem:$0x3FB2] =	sst s8  }
0x11: {  	[smem:$0x3FB3] =	sst s9;
	s0 =	simm.s32 @!p0 $0x0  }
0x12: {  	s1 =	sld [smem:$0x3F99];
	s0 =	simm.s32 @p0 $0x1  }
0x13: {  	[smem:$0x3FB4] =	sst s0;
	s0 =	simm.s32 @!p1 $0x0  }
0x14: {  	s2 =	sld [smem:$0x3F98];
	s0 =	simm.s32 @p1 $0x1  }
0x15: {  	[smem:$0x3FB5] =	sst s0;
	s0 =	simm.s32 @!p2 $0x0  }
0x16: {  	s3 =	sld [smem:$0x3FDB];
	s0 =	simm.s32 @p2 $0x1  }
0x17: {  	s4 =	simm.s32 $0x1BF5;
	[smem:$0x3FB7] =	sst s0  }
0x18: {  	s0 =	sld [smem:$0x3F9A];
	_ =	swait.ge [sflag:s4], $0x0  }
0x19: {  	s7 =	sld [smem:$0x3F9B]  }
0x1a: {  	s8 =	sadd.s32 $0xFFFFE003, lr  }
0x1b: {  	s9 =	sadd.s32 $0xFFFFFEF7, lr;
	s5 =	simm.s32 $0xFFFFFFFF;
	p2 =	slt.u32 s8, $0xFFFFF086  }
0x1c: {  	p1 =	slt.u32 s9, $0xF7A;
	s5 =	simm.s32 @!p2 $0x0  }
0x1d: {  	s5 =	simm.s32 @p1 $0x1;
	p0 =	seq.s32 s7, s2  }
0x1e: {  	s7 =	smul.u32 @!p0 $0xF7A, s2;
	p2 =	seq.s32 @!p0 s5, $0x0  }
0x1f: {  	s9 =	smul.u32 $0xF7A, s1;
	s8 =	simm.s32 @!p0 $0x1BF5;
	p2 =	por !p2, p0  }
0x20: {  	[sflag:s8] =	ssyncset.s32 @!p0 $0xFFFFF086;
	s6 =	sadd.s32 @!p0 s3, s7;
	s7 =	simm.s32 @!p0 $0x108  }
0x21: {  	s3 =	sadd.s32 s3, s9;
	s6 =	sadd.s32 @!p0 $0x88, s6;
	s7 =	simm.s32 @p2 $0x1082  }
0x22: {  	[simem:s7], [sflag:s8] =	dma.local @!p0 [hbm:s6], $0xF7A  }
0x23: {  	s9 =	sor.u32 $0xD0000000, s2;
	s6 =	simm.s32 $0x108;
	_ =	swait.ge @!p0 [sflag:s8], $0x0  }
0x24: {  	s3 =	sadd.s32 $0x88, s3;
	s6 =	simm.s32 @!p1 $0x1082;
	[sflag:s4] =	ssyncset.s32 $0xFFFFF086  }
0x25: {  	[simem:s6], [sflag:s4] =	dma.local [hbm:s3], $0xF7A  }
0x26: {  	[smem:$0x3F9B] =	sst s1;
	(tag) =	ssettag s2;
	_ =	strace s9  }
0x27: {  	s1 =	sld [smem:$0x3FAB]  }
0x28: {  	s2 =	sld [smem:$0x3FAC]  }
0x29: {  	s4 =	sld [smem:$0x3FAE]  }
0x2a: {  	p0 =	seq.s32 s5, $0x0;
	s5 =	sld [smem:$0x3FAF]  }
0x2b: {  	s6 =	sld [smem:$0x3FB0]  }
0x2c: {  	s7 =	sld [smem:$0x3FB1]  }
0x2d: {  	s3 =	simm.s32 $0x108;
	s8 =	sld [smem:$0x3FB2]  }
0x2e: {  	s3 =	simm.s32 @!p0 $0x1082;
	s9 =	sld [smem:$0x3FB3]  }
0x2f: {  	lr =	sadd.s32 s0, s3;
	s0 =	sld [smem:$0x3FAA]  }
0x30: {  	s3 =	sld [smem:$0x3FAD]  }
0x31: {  	[smem:$0x3FB6] =	sst s10  }
0x32: {  	s10 =	sld [smem:$0x3FB4];
	_ =	sdelay $0x3  }
0x33: {  	p0 =	seq.s32 s10, $0x1;
	s10 =	sld [smem:$0x3FB6];
	_ =	sdelay $0x3  }
0x34: {  	[smem:$0x3FB6] =	sst s10  }
0x35: {  	s10 =	sld [smem:$0x3FB5];
	_ =	sdelay $0x3  }
0x36: {  	p1 =	seq.s32 s10, $0x1;
	s10 =	sld [smem:$0x3FB6];
	_ =	sdelay $0x3  }
0x37: {  	[smem:$0x3FB6] =	sst s10  }
0x38: {  	s10 =	sld [smem:$0x3FB7]  }
0x39: {  	_ = 	snop;
	(pc) =	sbr.ind lr, $3  }
0x3a: {  	_ = 	snop  }
0x3b: {  	_ = 	snop  }
0x3c: {  	p2 =	seq.s32 s10, $0x1;
	s10 =	sld [smem:$0x3FB6]  }
0x3d: {  	_ =	shalt  }
0x3e: {  	_ =	shalt  }
0x3f: {  	_ =	shalt  }
0x40: {  	_ =	shalt  }
0x41: {  	_ =	shalt  }
0x42: {  	_ =	shalt  }
0x43: {  	_ =	shalt  }
0x44: {  	_ =	shalt  }
0x45: {  	_ =	shalt  }
0x46: {  	_ =	shalt  }
0x47: {  	_ =	shalt  }
0x48: {  	_ =	shalt  }
0x49: {  	_ =	shalt  }
0x4a: {  	_ =	shalt  }
0x4b: {  	_ =	shalt  }
0x4c: {  	_ =	shalt  }
0x4d: {  	_ =	shalt  }
0x4e: {  	_ =	shalt  }
0x4f: {  	_ =	shalt  }
0x50: {  	_ =	shalt  }
0x51: {  	_ =	shalt  }
0x52: {  	_ =	shalt  }
0x53: {  	_ =	shalt  }
0x54: {  	_ =	shalt  }
0x55: {  	_ =	shalt  }
0x56: {  	_ =	shalt  }
0x57: {  	_ =	shalt  }
0x58: {  	_ =	shalt  }
0x59: {  	_ =	shalt  }
0x5a: {  	_ =	shalt  }
0x5b: {  	_ =	shalt  }
0x5c: {  	_ =	shalt  }
0x5d: {  	_ =	shalt  }
0x5e: {  	_ =	shalt  }
0x5f: {  	_ =	shalt  }
0x60: {  	_ =	shalt  }
0x61: {  	_ =	shalt  }
0x62: {  	_ =	shalt  }
0x63: {  	_ =	shalt  }
0x64: {  	_ =	shalt  }
0x65: {  	_ =	shalt  }
0x66: {  	_ =	shalt  }
0x67: {  	_ =	shalt  }
0x68: {  	_ =	shalt  }
0x69: {  	_ =	shalt  }
0x6a: {  	_ =	shalt  }
0x6b: {  	_ =	shalt  }
0x6c: {  	_ =	shalt  }
0x6d: {  	_ =	shalt  }
0x6e: {  	_ =	shalt  }
0x6f: {  	_ =	shalt  }
0x70: {  	_ =	shalt  }
0x71: {  	_ =	shalt  }
0x72: {  	_ =	shalt  }
0x73: {  	_ =	shalt  }
0x74: {  	_ =	shalt  }
0x75: {  	_ =	shalt  }
0x76: {  	_ =	shalt  }
0x77: {  	_ =	shalt  }
0x78: {  	_ =	shalt  }
0x79: {  	_ =	shalt  }
0x7a: {  	_ =	shalt  }
0x7b: {  	_ =	shalt  }
0x7c: {  	_ =	shalt  }
0x7d: {  	_ =	shalt  }
0x7e: {  	_ =	shalt  }
0x7f: {  	_ =	shalt  }
0x80: {  	_ =	shalt  }
0x81: {  	_ =	shalt  }
0x82: {  	_ =	shalt  }
0x83: {  	_ =	shalt  }
0x84: {  	_ =	shalt  }
0x85: {  	_ =	shalt  }
0x86: {  	_ =	shalt  }
0x87: {  	_ =	shalt  }
.Lfunc_end0:
.L_simem_size_0:
called_computation.2_lowered:
.L_overlay_start_0:
0x88: {  	s2 =	sld [smem:$0x3FD9]  }
0x89: {  	s3 =	sld [smem:$0x3FFE];
	_ =	sdelay $0x1  }
0x8a: {  	s1 =	srdreg.scid  }
0x8b: {  	s0 =	sand.u32 $0x1, s1  }
0x8c: {  	s17 =	sshll.u32 s0, $0xA;
	s2 =	sadd.s32 s3, s2  }
0x8d: {  	s2 =	sadd.s32 s2, s17  }
0x8e: {  	[smem:$0x3FC2] =	sst s2  }
0x8f: {  	_ = 	snop  }
0x90: {  	s2 =	sld [smem:$0x3FD0];
	(tm) =	ssettm $0x1  }
0x91: {  	s18 =	sld [smem:$0x3FFB];
	_ =	sdelay $0x3  }
0x92: {  	_ =	strace s18  }
0x93: {  	s3 =	sld [smem:$0x3FFC];
	_ =	sdelay $0x3  }
0x94: {  	_ =	strace s3  }
0x95: {  	s3 =	sld [smem:$0x3FFD];
	_ =	sdelay $0x3  }
0x96: {  	_ =	strace s3  }
0x97: {  	_ =	strace $0x8FFFFFFF  }
0x98: {  	s19 =	sld [smem:$0x3FDB];
	_ =	sdelay $0x1  }
0x99: {  	s4 =	simm.s32 $_scs_section_size  }
0x9a: {  	s5 =	simm.s32 $_size__tile_overlayer_lowered;
	s6 =	simm.s32 $_tile_overlayer_lowered  }
0x9b: {  	s22 =	simm.s32 $0x1BFF;
	s21 =	sshll.u32 s6, $0x1;
	s3 =	sadd.s32 s4, s19  }
0x9c: {  	s7 =	simm.s32 $0x0;
	s20 =	sshll.u32 s5, $0x1;
	s5 =	sadd.s32 s21, s3  }
0x9d: {  	[timem:s7], [sflag:s22] =	dma.local [hbm:s5], s20  }
0x9e: {  	_ =	swait.ge [sflag:s22], s20  }
0x9f: {  	s4 =	ssub.s32 $0x0, s20;
	[sflag:s22] =	ssyncset.done $0x0  }
0xa0: {  	[sflag:s22] =	ssyncadd.s32 s4;
	_ =	sdelay $0x1  }
0xa1: {  	s23 =	simm.s32 $0x1B8B  }
0xa2: {  	_ =	swait.ge [sflag:s23], $0x1  }
0xa3: {  	[sflag:s23] =	ssyncset.done $0x0  }
0xa4: {  	s25 =	simm.s32 $0x1B8E;
	s24 =	sld [smem:$0x3FFE];
	[sflag:s23] =	ssyncadd.s32 $0xFFFFFFFF  }
0xa5: {  	s26 =	simm.s32 $execute0_lowered;
	[smem:$0x3FD2] =	sst s25  }
0xa6: {  	s5 =	sshll.u32 s26, $0x1;
	_ =	strace $0x8000004C;
	[dreg:$0x1] =	wrdreg $0xFFFFFFFF  }
0xa7: {  	s28 =	simm.s32 $_size_execute0_lowered;
	s3 =	sadd.s32 s3, s5;
	[dreg:$0x0] =	wrdreg $0x0  }
0xa8: {  	s5 =	sshll.u32 s28, $0x1;
	[dreg:$0x2] =	wrdreg s3  }
0xa9: {  	[dreg:$0x3] =	wrdreg s5  }
0xaa: {  	[dreg:$0x4] =	wrdreg $0xC0  }
0xab: {  	_ =	task [dreg:s7], $0x5FFFF  }
0xac: {  	[dreg:$0x1] =	wrdreg $0xFFFFFFFF  }
0xad: {  	[dreg:$0x0] =	wrdreg $0x60  }
0xae: {  	[dreg:$0x2] =	wrdreg s24  }
0xaf: {  	[dreg:$0x3] =	wrdreg s2  }
0xb0: {  	[dreg:$0x4] =	wrdreg $0xD0000  }
0xb1: {  	[dreg:$0x5] =	wrdreg $0x9  }
0xb2: {  	_ =	task.clear_ibuf [dreg:s7], $0x6FFFF;
	_ =	strace $0x9000004C  }
0xb3: {  	s29 =	simm.s32 $0x9;
	_ =	strace $0x8000004E  }
0xb4: {  	_ =	swait.ge [sflag:s29], $0x1  }
0xb5: {  	[sflag:s29] =	ssyncadd.s32 $0xFFFFFFFF  }
0xb6: {  	_ =	strace $0x9000004E  }
0xb7: {  	_ =	sfence  }
0xb8: {  	s30 =	sld [smem:$0x0];
	_ =	sdelay $0x2  }
0xb9: {  	s31 =	sshll.u32 s1, $0xD;
	s1 =	sshrl.u32 s1, $0x2  }
0xba: {  	s3 =	sand.u32 $0x4000, s31;
	s1 =	sadd.s32 s1, s30  }
0xbb: {  	s0 =	sor.u32 s3, s0;
	s1 =	sshll.u32 s1, $0x11  }
0xbc: {  	s0 =	sor.u32 s1, s0  }
0xbd: {  	s0 =	sadd.s32 $0x8F2B, s0  }
0xbe: {  	[sflag:s0] =	ssyncadd.remote.s32 $0x1  }
0xbf: {  	_ =	sfence.sel $0xFFFF  }
0xc0: {  	[dreg:$0x0] =	wrdreg $0xFFFFFFFF;
	(pc) =	sbr.abs _section_cstart, $3  }
0xc1: {  	[dreg:$0x1] =	wrdreg $0xFFFFFFFF  }
0xc2: {  	_ =	task.clear_ibuf [dreg:s7], $0x2FFFF;
	_ =	strace $0x9FFFFFFF  }
0xc3: {  	(tm) =	ssettm $0x7FFFFFFF  }
tec
execute0_lowered:
.L_overlay_start_1:
0x0: {  	(tag) =	ssettag $0x1  }
0x1: {  	s0 =	rddreg [dreg:$0x0]  }
0x2: {  	s1 =	rddreg [dreg:$0x1];
	s3 =	srdreg.scid  }
0x3: {  	s14 =	stileid.u32;
	s2 =	rddreg [dreg:$0x2];
	s16 =	simm.s32 $0x5  }
0x4: {  	s18 =	simm.s32 $0x80;
	s19 =	simm.s32 $0x5000;
	s20 =	simm.s32 $0x7000  }
0x5: {  	s22 =	simm.s32 $0x9000;
	s24 =	simm.s32 $0xB000;
	s28 =	simm.s32 $0x3  }
0x6: {  	s29 =	simm.s32 $0x4;
	s31 =	simm.s32 $0x4E80;
	s17 =	simm.s32 $0x4F80  }
0x7: {  	s9 =	sand.u32 $0x1, s3;
	s4 =	sshll.u32 s14, $0x1;
	s6 =	smul.u32 $0x1400, s14  }
0x8: {  	s3 =	simm.s32 $0x0;
	s5 =	sadd.s32 $0x1E00, s0;
	s12 =	smul.u32 $0x28000, s14  }
0x9: {  	s13 =	smul.u32 $0xA000, s14;
	s4 =	sor.u32 s9, s4;
	[smem:$0x7FF] =	sst s3  }
0xa: {  	s7 =	smul.u32 $0x14000, s9;
	s11 =	ssub.s32 $0x2, s9;
	p0 =	sne.s32 s9, $0x0  }
0xb: {  	s10 =	smul.u32 $0x500, s4;
	_ =	strace $0x8000004D;
	s4 =	sadd.s32 $0x15E00, s0  }
0xc: {  	s25 =	sshrl.u32 s11, $0x1;
	s26 =	sshrl.u32 s12, $0x2;
	s15 =	sadd.s32 s13, s2  }
0xd: {  	s30 =	sshrl.u32 s13, $0x3;
	s6 =	sadd.s32 s6, s7;
	s11 =	ssub.s32 s11, s25  }
0xe: {  	s7 =	sadd.s32 s4, s30;
	s15 =	sshrl.u32 @!p0 s15, $0x3;
	s25 =	simm.s32 $0x1  }
0xf: {  	s8 =	sadd.s32 s10, s0;
	s0 =	sadd.s32 s6, s0;
	s6 =	sadd.s32 s26, s2  }
0x10: {  	s9 =	sadd.s32 s1, s10;
	s11 =	smax.u32 s11, $0x1;
	s26 =	simm.s32 $0x2  }
0x11: {  	s1 =	simm.s32 $0x4F00;
	s10 =	sadd.s32 $0x29E00, s0;
	s0 =	sshll.u32 @p0 s14, $0x6  }
0x12: {  	s8 =	sadd.s32 $0xBE00, s8;
	s12 =	sor.u32 @p0 $0x1C05, s0;
	s0 =	sshll.u32 @!p0 s14, $0x6  }
0x13: {  	s13 =	sshrl.u32 @p0 s6, $0x3;
	s14 =	sor.u32 @!p0 $0x1C05, s0;
	s0 =	simm.s32 $0x0  }
.LBB2_1:
0x14: {  	[spmem:s13], [sflag:s12] =	dma.local @p0 [hbm:s5], $0x1400  }
0x15: {  	[spmem:s15], [sflag:s14] =	dma.local @!p0 [hbm:s7], $0x1400  }
0x16: {  	_ =	swait.ge [sflag:s16], $0x1400  }
0x17: {  	[sflag:s16] =	ssyncset.done $0x0  }
0x18: {  	[sflag:s16] =	ssyncadd.s32 $0xFFFFEC00  }
0x19: {  	[bflag:$0x0] =	sbarrier.arrive $0xFFFF  }
0x1a: {  	[tilespmem:s3], [sflag:$0x5] =	stream.linear.gather [hbm4b:s8+s3], $0x2800, $0x38;
	[tilespmem:$0x17000] =	vst v63  }
0x1b: {  	_ =	swait.ge [sflag:s16], $0x2800  }
0x1c: {  	[sflag:s16] =	ssyncset.done $0x0  }
0x1d: {  	s21 =	simm.s32 $0x2800;
	[sflag:s16] =	ssyncadd.s32 $0xFFFFD800  }
0x1e: {  	[tilespmem:s21], [sflag:$0x5] =	stream.linear.gather [hbm4b:s9+s3], $0x2800, $0x38;
	[tilespmem:$0x17000] =	vst v63  }
0x1f: {  	_ =	swait.ge [sflag:s16], $0x2800  }
0x20: {  	[sflag:s16] =	ssyncset.done $0x0  }
0x21: {  	[sflag:s16] =	ssyncadd.s32 $0xFFFFD800  }
0x22: {  	[tilespmem:s19], [sflag:$0x1] =	stream.indirect.gather [hbm4b:s4+s18], $0x40, s3, s18, $0xb8;
	[tilespmem:$0x17000] =	vst v63  }
0x23: {  	_ = 	snop  }
0x24: {  	[tilespmem:s20], [sflag:$0x2] =	stream.indirect.gather [hbm4b:s4+s18], $0x40, s18, s18, $0xb8;
	[tilespmem:$0x17000] =	vst v63  }
0x25: {  	s30 =	simm.s32 $0x100  }
0x26: {  	[tilespmem:s22], [sflag:$0x3] =	stream.indirect.gather [hbm4b:s4+s18], $0x40, s30, s18, $0xb8;
	[tilespmem:$0x17000] =	vst v63  }
0x27: {  	s23 =	simm.s32 $0x180  }
0x28: {  	[tilespmem:s24], [sflag:$0x4] =	stream.indirect.gather [hbm4b:s4+s18], $0x40, s23, s18, $0xb8;
	[tilespmem:$0x17000] =	vst v63  }
0x29: {  	_ =	swait.ge [sflag:s25], $0x2000  }
0x2a: {  	[sflag:s25] =	ssyncset.done $0x0  }
0x2b: {  	s30 =	simm.s32 $0x2800;
	[sflag:s25] =	ssyncadd.s32 $0xFFFFE000  }
0x2c: {  	[spmem:s2] =	stream.indirect.scatter.add.f32 [tilespmem:s19], [sflag:$0x5], $0x40, s30, s18, $0xb8;
	[tilespmem:$0x17000] =	vst v63  }
0x2d: {  	_ =	swait.ge [sflag:s16], $0x2000  }
0x2e: {  	[sflag:s16] =	ssyncset.done $0x0  }
0x2f: {  	s23 =	simm.s32 $0x200;
	[sflag:s16] =	ssyncadd.s32 $0xFFFFE000  }
0x30: {  	[tilespmem:s19], [sflag:$0x1] =	stream.indirect.gather [hbm4b:s4+s18], $0x40, s23, s18, $0xb8;
	[tilespmem:$0x17000] =	vst v63  }
0x31: {  	_ =	swait.ge [sflag:s26], $0x2000  }
0x32: {  	[sflag:s26] =	ssyncset.done $0x0  }
0x33: {  	s30 =	simm.s32 $0x2880;
	[sflag:s26] =	ssyncadd.s32 $0xFFFFE000  }
0x34: {  	[spmem:s2] =	stream.indirect.scatter.add.f32 [tilespmem:s20], [sflag:$0x5], $0x40, s30, s18, $0xb8;
	[tilespmem:$0x17000] =	vst v63  }
0x35: {  	_ =	swait.ge [sflag:s16], $0x2000  }
0x36: {  	[sflag:s16] =	ssyncset.done $0x0  }
0x37: {  	s23 =	simm.s32 $0x280;
	[sflag:s16] =	ssyncadd.s32 $0xFFFFE000  }
0x38: {  	[tilespmem:s20], [sflag:$0x2] =	stream.indirect.gather [hbm4b:s4+s18], $0x40, s23, s18, $0xb8;
	[tilespmem:$0x17000] =	vst v63  }
0x39: {  	_ =	swait.ge [sflag:s28], $0x2000  }
0x3a: {  	[sflag:s28] =	ssyncset.done $0x0  }
0x3b: {  	s30 =	simm.s32 $0x2900;
	[sflag:s28] =	ssyncadd.s32 $0xFFFFE000  }
0x3c: {  	[spmem:s2] =	stream.indirect.scatter.add.f32 [tilespmem:s22], [sflag:$0x5], $0x40, s30, s18, $0xb8;
	[tilespmem:$0x17000] =	vst v63  }
0x3d: {  	_ =	swait.ge [sflag:s16], $0x2000  }
0x3e: {  	[sflag:s16] =	ssyncset.done $0x0  }
0x3f: {  	s23 =	simm.s32 $0x300;
	[sflag:s16] =	ssyncadd.s32 $0xFFFFE000  }
0x40: {  	[tilespmem:s22], [sflag:$0x3] =	stream.indirect.gather [hbm4b:s4+s18], $0x40, s23, s18, $0xb8;
	[tilespmem:$0x17000] =	vst v63  }
0x41: {  	_ =	swait.ge [sflag:s29], $0x2000  }
0x42: {  	[sflag:s29] =	ssyncset.done $0x0  }
0x43: {  	s30 =	simm.s32 $0x2980;
	[sflag:s29] =	ssyncadd.s32 $0xFFFFE000  }
0x44: {  	[spmem:s2] =	stream.indirect.scatter.add.f32 [tilespmem:s24], [sflag:$0x5], $0x40, s30, s18, $0xb8;
	[tilespmem:$0x17000] =	vst v63  }
0x45: {  	_ =	swait.ge [sflag:s16], $0x2000  }
0x46: {  	[sflag:s16] =	ssyncset.done $0x0  }
0x47: {  	s21 =	simm.s32 $0x800;
	s23 =	simm.s32 $0x380;
	[sflag:s16] =	ssyncadd.s32 $0xFFFFE000  }
.LBB2_2:
0x48: {  	[tilespmem:s24], [sflag:$0x4] =	stream.indirect.gather [hbm4b:s4+s18], $0x40, s23, s18, $0xb8;
	[tilespmem:$0x17000] =	vst v63  }
0x49: {  	s23 =	smov.u32 s21  }
0x4a: {  	p1 =	sne.s32 s21, $0x9000;
	s21 =	sadd.s32 $0x800, s21;
	_ =	swait.ge [sflag:s25], $0x2000  }
0x4b: {  	s23 =	sshra.s32 s23, $0x2;
	[sflag:s25] =	ssyncset.done $0x0  }
0x4c: {  	s30 =	sadd.s32 $0x2800, s23;
	[sflag:s25] =	ssyncadd.s32 $0xFFFFE000  }
0x4d: {  	[spmem:s2] =	stream.indirect.scatter.add.f32 [tilespmem:s19], [sflag:$0x5], $0x40, s30, s18, $0xb8;
	[tilespmem:$0x17000] =	vst v63  }
0x4e: {  	_ =	swait.ge [sflag:s16], $0x2000  }
0x4f: {  	[sflag:s16] =	ssyncset.done $0x0  }
0x50: {  	s30 =	sadd.s32 $0x200, s23;
	[sflag:s16] =	ssyncadd.s32 $0xFFFFE000  }
0x51: {  	[tilespmem:s19], [sflag:$0x1] =	stream.indirect.gather [hbm4b:s4+s18], $0x40, s30, s18, $0xb8;
	[tilespmem:$0x17000] =	vst v63  }
0x52: {  	_ =	swait.ge [sflag:s26], $0x2000  }
0x53: {  	[sflag:s26] =	ssyncset.done $0x0  }
0x54: {  	s30 =	sadd.s32 $0x2880, s23;
	[sflag:s26] =	ssyncadd.s32 $0xFFFFE000  }
0x55: {  	[spmem:s2] =	stream.indirect.scatter.add.f32 [tilespmem:s20], [sflag:$0x5], $0x40, s30, s18, $0xb8;
	[tilespmem:$0x17000] =	vst v63  }
0x56: {  	_ =	swait.ge [sflag:s16], $0x2000  }
0x57: {  	[sflag:s16] =	ssyncset.done $0x0  }
0x58: {  	s30 =	sadd.s32 $0x280, s23;
	[sflag:s16] =	ssyncadd.s32 $0xFFFFE000  }
0x59: {  	[tilespmem:s20], [sflag:$0x2] =	stream.indirect.gather [hbm4b:s4+s18], $0x40, s30, s18, $0xb8;
	[tilespmem:$0x17000] =	vst v63  }
0x5a: {  	_ =	swait.ge [sflag:s28], $0x2000  }
0x5b: {  	[sflag:s28] =	ssyncset.done $0x0  }
0x5c: {  	s30 =	sadd.s32 $0x2900, s23;
	[sflag:s28] =	ssyncadd.s32 $0xFFFFE000  }
0x5d: {  	[spmem:s2] =	stream.indirect.scatter.add.f32 [tilespmem:s22], [sflag:$0x5], $0x40, s30, s18, $0xb8;
	[tilespmem:$0x17000] =	vst v63  }
0x5e: {  	_ =	swait.ge [sflag:s16], $0x2000  }
0x5f: {  	[sflag:s16] =	ssyncset.done $0x0  }
0x60: {  	s30 =	sadd.s32 $0x300, s23;
	[sflag:s16] =	ssyncadd.s32 $0xFFFFE000  }
0x61: {  	[tilespmem:s22], [sflag:$0x3] =	stream.indirect.gather [hbm4b:s4+s18], $0x40, s30, s18, $0xb8;
	[tilespmem:$0x17000] =	vst v63  }
0x62: {  	_ =	swait.ge [sflag:s29], $0x2000  }
0x63: {  	[sflag:s29] =	ssyncset.done $0x0  }
.Ltmp0:
0x64: {  	s30 =	sadd.s32 $0x2980, s23;
	[sflag:s29] =	ssyncadd.s32 $0xFFFFE000;
	(pc) =	sbr.rel @p1 .LBB2_2-.Ltmp0, $4  }
0x65: {  	[spmem:s2] =	stream.indirect.scatter.add.f32 [tilespmem:s24], [sflag:$0x5], $0x40, s30, s18, $0xb8;
	[tilespmem:$0x17000] =	vst v63  }
0x66: {  	_ =	swait.ge [sflag:s16], $0x2000  }
0x67: {  	[sflag:s16] =	ssyncset.done $0x0  }
0x68: {  	s23 =	sadd.s32 $0x380, s23;
	[sflag:s16] =	ssyncadd.s32 $0xFFFFE000  }
0x69: {  	[tilespmem:s24], [sflag:$0x4] =	stream.indirect.gather [hbm4b:s4+s18], $0x40, s23, s18, $0xb8;
	[tilespmem:$0x17000] =	vst v63  }
0x6a: {  	_ =	swait.ge [sflag:s25], $0x2000  }
0x6b: {  	[sflag:s25] =	ssyncset.done $0x0  }
0x6c: {  	s21 =	simm.s32 $0x4E00;
	[sflag:s25] =	ssyncadd.s32 $0xFFFFE000  }
0x6d: {  	[spmem:s2] =	stream.indirect.scatter.add.f32 [tilespmem:s19], [sflag:$0x5], $0x40, s21, s18, $0xb8;
	[tilespmem:$0x17000] =	vst v63  }
0x6e: {  	_ =	swait.ge [sflag:s16], $0x2000  }
0x6f: {  	[sflag:s16] =	ssyncset.done $0x0  }
0x70: {  	[sflag:s16] =	ssyncadd.s32 $0xFFFFE000  }
0x71: {  	_ =	swait.ge [sflag:s26], $0x2000  }
0x72: {  	[sflag:s26] =	ssyncset.done $0x0  }
0x73: {  	[sflag:s26] =	ssyncadd.s32 $0xFFFFE000  }
0x74: {  	[spmem:s2] =	stream.indirect.scatter.add.f32 [tilespmem:s20], [sflag:$0x5], $0x40, s31, s18, $0xb8;
	[tilespmem:$0x17000] =	vst v63  }
0x75: {  	_ =	swait.ge [sflag:s16], $0x2000  }
0x76: {  	[sflag:s16] =	ssyncset.done $0x0  }
0x77: {  	[sflag:s16] =	ssyncadd.s32 $0xFFFFE000  }
0x78: {  	_ =	swait.ge [sflag:s28], $0x2000  }
0x79: {  	[sflag:s28] =	ssyncset.done $0x0  }
0x7a: {  	[sflag:s28] =	ssyncadd.s32 $0xFFFFE000  }
0x7b: {  	[spmem:s2] =	stream.indirect.scatter.add.f32 [tilespmem:s22], [sflag:$0x5], $0x40, s1, s18, $0xb8;
	[tilespmem:$0x17000] =	vst v63  }
0x7c: {  	_ =	swait.ge [sflag:s16], $0x2000  }
0x7d: {  	[sflag:s16] =	ssyncset.done $0x0  }
0x7e: {  	[sflag:s16] =	ssyncadd.s32 $0xFFFFE000  }
0x7f: {  	_ =	swait.ge [sflag:s29], $0x2000  }
0x80: {  	[sflag:s29] =	ssyncset.done $0x0  }
0x81: {  	[sflag:s29] =	ssyncadd.s32 $0xFFFFE000  }
0x82: {  	[spmem:s2] =	stream.indirect.scatter.add.f32 [tilespmem:s24], [sflag:$0x5], $0x40, s17, s18, $0xb8;
	[tilespmem:$0x17000] =	vst v63  }
0x83: {  	s23 =	stileid.u32;
	_ =	swait.ge [sflag:s16], $0x2000  }
0x84: {  	s30 =	sshrl.u32 s6, $0x3;
	s0 =	sadd.s32 $0x1, s0;
	[sflag:s16] =	ssyncset.done $0x0  }
0x85: {  	p1 =	sne.s32 s0, s11;
	s21 =	sshll.u32 s23, $0x6;
	[sflag:s16] =	ssyncadd.s32 $0xFFFFE000  }
.Ltmp1:
0x86: {  	s21 =	sor.u32 $0x1C05, s21;
	[bflag:$0x0] =	sbarrier.arrive $0xFFFF;
	(pc) =	sbr.rel @p1 .LBB2_1-.Ltmp1, $4  }
0x87: {  	[hbm:s10], [sflag:s21] =	dma.local [spmem:s30], $0x1400  }
0x88: {  	_ =	swait.ge [sflag:s16], $0x1400  }
0x89: {  	[sflag:s16] =	ssyncset.done $0x0  }
0x8a: {  	[sflag:s16] =	ssyncadd.s32 $0xFFFFEC00  }
0x8b: {  	_ =	sfence.sel $0x180000  }
0x8c: {  	[bflag:$0x0] =	sbarrier.arrive $0xFFFF  }
0x8d: {  	_ =	strace $0x9000004D  }
0x8e: {  	s0 =	stileid.u32;
	[bflag:$0x2] =	sbarrier.arrive $0xFFFF  }
0x8f: {  	p0 =	sne.s32 s0, $0x0;
	s0 =	rddreg [dreg:$0x3]  }
0x90: {  	s0 =	sadd.s32 @!p0 $0x100000, s0  }
0x91: {  	[sflag:s0] =	ssyncadd.tile.s32 @!p0 $0x1;
	_ =	shalt  }
.Lfunc_end2:
_tile_overlayer_lowered:
.L_overlay_start_2:
0x92: {  	(tag) =	ssettag $0x2  }
0x93: {  	s0 =	rddreg [dreg:$0x0];
	s2 =	stileid.u32  }
0x94: {  	s1 =	rddreg [dreg:$0x1];
	p0 =	sne.s32 s2, $0x0  }
0x95: {  	s3 =	rddreg [dreg:$0x2];
	[bflag:$0x3] =	sbarrier.arrive $0xFFFF;
	s2 =	simm.s32 @!p0 $0x1C05  }
0x96: {  	[timem:s3], [sflag:s2] =	dma.local @!p0 [hbm:s0], s1  }
0x97: {  	s0 =	simm.s32 @!p0 $0x5  }
0x98: {  	_ =	swait.ge @!p0 [sflag:s0], s1  }
0x99: {  	s1 =	ssub.s32 @!p0 $0x0, s1;
	[sflag:s0] =	ssyncset.done @!p0 $0x0  }
0x9a: {  	[sflag:s0] =	ssyncadd.s32 @!p0 s1  }
0x9b: {  	[bflag:$0x3] =	sbarrier.arrive $0xFFFF  }
0x9c: {  	_ =	shalt  }

// kernel: kernel.8.cloned.1.call-start
scs
__scs_entry_jumppad:
0x0: {  	(pc) =	sbr.rel $0x88, $3  }
0x1: {  	(tag) =	ssettag $0x0;
	lr =	simm.s32 $0x1  }
0x2: {  	[smem:$0x3F9B] =	sst lr;
	_ =	strace $0xD0000000  }
0x3: {  	_ = 	snop  }
0x4: {  	_ = 	snop  }
0x5: {  	_ = 	snop  }
0x6: {  	_ = 	snop  }
0x7: {  	_ = 	snop  }
__scs_overlays_trampoline_lowered:
0x8: {  	[smem:$0x3FAA] =	sst s0  }
0x9: {  	[smem:$0x3FAB] =	sst s1  }
0xa: {  	[smem:$0x3FAC] =	sst s2  }
0xb: {  	[smem:$0x3FAD] =	sst s3  }
0xc: {  	[smem:$0x3FAE] =	sst s4  }
0xd: {  	[smem:$0x3FAF] =	sst s5  }
0xe: {  	[smem:$0x3FB0] =	sst s6  }
0xf: {  	[smem:$0x3FB1] =	sst s7  }
0x10: {  	[smem:$0x3FB2] =	sst s8  }
0x11: {  	[smem:$0x3FB3] =	sst s9;
	s0 =	simm.s32 @!p0 $0x0  }
0x12: {  	s1 =	sld [smem:$0x3F99];
	s0 =	simm.s32 @p0 $0x1  }
0x13: {  	[smem:$0x3FB4] =	sst s0;
	s0 =	simm.s32 @!p1 $0x0  }
0x14: {  	s2 =	sld [smem:$0x3F98];
	s0 =	simm.s32 @p1 $0x1  }
0x15: {  	[smem:$0x3FB5] =	sst s0;
	s0 =	simm.s32 @!p2 $0x0  }
0x16: {  	s3 =	sld [smem:$0x3FDB];
	s0 =	simm.s32 @p2 $0x1  }
0x17: {  	s4 =	simm.s32 $0x1BF5;
	[smem:$0x3FB7] =	sst s0  }
0x18: {  	s0 =	sld [smem:$0x3F9A];
	_ =	swait.ge [sflag:s4], $0x0  }
0x19: {  	s7 =	sld [smem:$0x3F9B]  }
0x1a: {  	s8 =	sadd.s32 $0xFFFFE003, lr  }
0x1b: {  	s9 =	sadd.s32 $0xFFFFFEF7, lr;
	s5 =	simm.s32 $0xFFFFFFFF;
	p2 =	slt.u32 s8, $0xFFFFF086  }
0x1c: {  	p1 =	slt.u32 s9, $0xF7A;
	s5 =	simm.s32 @!p2 $0x0  }
0x1d: {  	s5 =	simm.s32 @p1 $0x1;
	p0 =	seq.s32 s7, s2  }
0x1e: {  	s7 =	smul.u32 @!p0 $0xF7A, s2;
	p2 =	seq.s32 @!p0 s5, $0x0  }
0x1f: {  	s9 =	smul.u32 $0xF7A, s1;
	s8 =	simm.s32 @!p0 $0x1BF5;
	p2 =	por !p2, p0  }
0x20: {  	[sflag:s8] =	ssyncset.s32 @!p0 $0xFFFFF086;
	s6 =	sadd.s32 @!p0 s3, s7;
	s7 =	simm.s32 @!p0 $0x108  }
0x21: {  	s3 =	sadd.s32 s3, s9;
	s6 =	sadd.s32 @!p0 $0x88, s6;
	s7 =	simm.s32 @p2 $0x1082  }
0x22: {  	[simem:s7], [sflag:s8] =	dma.local @!p0 [hbm:s6], $0xF7A  }
0x23: {  	s9 =	sor.u32 $0xD0000000, s2;
	s6 =	simm.s32 $0x108;
	_ =	swait.ge @!p0 [sflag:s8], $0x0  }
0x24: {  	s3 =	sadd.s32 $0x88, s3;
	s6 =	simm.s32 @!p1 $0x1082;
	[sflag:s4] =	ssyncset.s32 $0xFFFFF086  }
0x25: {  	[simem:s6], [sflag:s4] =	dma.local [hbm:s3], $0xF7A  }
0x26: {  	[smem:$0x3F9B] =	sst s1;
	(tag) =	ssettag s2;
	_ =	strace s9  }
0x27: {  	s1 =	sld [smem:$0x3FAB]  }
0x28: {  	s2 =	sld [smem:$0x3FAC]  }
0x29: {  	s4 =	sld [smem:$0x3FAE]  }
0x2a: {  	p0 =	seq.s32 s5, $0x0;
	s5 =	sld [smem:$0x3FAF]  }
0x2b: {  	s6 =	sld [smem:$0x3FB0]  }
0x2c: {  	s7 =	sld [smem:$0x3FB1]  }
0x2d: {  	s3 =	simm.s32 $0x108;
	s8 =	sld [smem:$0x3FB2]  }
0x2e: {  	s3 =	simm.s32 @!p0 $0x1082;
	s9 =	sld [smem:$0x3FB3]  }
0x2f: {  	lr =	sadd.s32 s0, s3;
	s0 =	sld [smem:$0x3FAA]  }
0x30: {  	s3 =	sld [smem:$0x3FAD]  }
0x31: {  	[smem:$0x3FB6] =	sst s10  }
0x32: {  	s10 =	sld [smem:$0x3FB4];
	_ =	sdelay $0x3  }
0x33: {  	p0 =	seq.s32 s10, $0x1;
	s10 =	sld [smem:$0x3FB6];
	_ =	sdelay $0x3  }
0x34: {  	[smem:$0x3FB6] =	sst s10  }
0x35: {  	s10 =	sld [smem:$0x3FB5];
	_ =	sdelay $0x3  }
0x36: {  	p1 =	seq.s32 s10, $0x1;
	s10 =	sld [smem:$0x3FB6];
	_ =	sdelay $0x3  }
0x37: {  	[smem:$0x3FB6] =	sst s10  }
0x38: {  	s10 =	sld [smem:$0x3FB7]  }
0x39: {  	_ = 	snop;
	(pc) =	sbr.ind lr, $3  }
0x3a: {  	_ = 	snop  }
0x3b: {  	_ = 	snop  }
0x3c: {  	p2 =	seq.s32 s10, $0x1;
	s10 =	sld [smem:$0x3FB6]  }
0x3d: {  	_ =	shalt  }
0x3e: {  	_ =	shalt  }
0x3f: {  	_ =	shalt  }
0x40: {  	_ =	shalt  }
0x41: {  	_ =	shalt  }
0x42: {  	_ =	shalt  }
0x43: {  	_ =	shalt  }
0x44: {  	_ =	shalt  }
0x45: {  	_ =	shalt  }
0x46: {  	_ =	shalt  }
0x47: {  	_ =	shalt  }
0x48: {  	_ =	shalt  }
0x49: {  	_ =	shalt  }
0x4a: {  	_ =	shalt  }
0x4b: {  	_ =	shalt  }
0x4c: {  	_ =	shalt  }
0x4d: {  	_ =	shalt  }
0x4e: {  	_ =	shalt  }
0x4f: {  	_ =	shalt  }
0x50: {  	_ =	shalt  }
0x51: {  	_ =	shalt  }
0x52: {  	_ =	shalt  }
0x53: {  	_ =	shalt  }
0x54: {  	_ =	shalt  }
0x55: {  	_ =	shalt  }
0x56: {  	_ =	shalt  }
0x57: {  	_ =	shalt  }
0x58: {  	_ =	shalt  }
0x59: {  	_ =	shalt  }
0x5a: {  	_ =	shalt  }
0x5b: {  	_ =	shalt  }
0x5c: {  	_ =	shalt  }
0x5d: {  	_ =	shalt  }
0x5e: {  	_ =	shalt  }
0x5f: {  	_ =	shalt  }
0x60: {  	_ =	shalt  }
0x61: {  	_ =	shalt  }
0x62: {  	_ =	shalt  }
0x63: {  	_ =	shalt  }
0x64: {  	_ =	shalt  }
0x65: {  	_ =	shalt  }
0x66: {  	_ =	shalt  }
0x67: {  	_ =	shalt  }
0x68: {  	_ =	shalt  }
0x69: {  	_ =	shalt  }
0x6a: {  	_ =	shalt  }
0x6b: {  	_ =	shalt  }
0x6c: {  	_ =	shalt  }
0x6d: {  	_ =	shalt  }
0x6e: {  	_ =	shalt  }
0x6f: {  	_ =	shalt  }
0x70: {  	_ =	shalt  }
0x71: {  	_ =	shalt  }
0x72: {  	_ =	shalt  }
0x73: {  	_ =	shalt  }
0x74: {  	_ =	shalt  }
0x75: {  	_ =	shalt  }
0x76: {  	_ =	shalt  }
0x77: {  	_ =	shalt  }
0x78: {  	_ =	shalt  }
0x79: {  	_ =	shalt  }
0x7a: {  	_ =	shalt  }
0x7b: {  	_ =	shalt  }
0x7c: {  	_ =	shalt  }
0x7d: {  	_ =	shalt  }
0x7e: {  	_ =	shalt  }
0x7f: {  	_ =	shalt  }
0x80: {  	_ =	shalt  }
0x81: {  	_ =	shalt  }
0x82: {  	_ =	shalt  }
0x83: {  	_ =	shalt  }
0x84: {  	_ =	shalt  }
0x85: {  	_ =	shalt  }
0x86: {  	_ =	shalt  }
0x87: {  	_ =	shalt  }
.Lfunc_end0:
.L_simem_size_0:
called_computation_lowered:
.L_overlay_start_0:
0x88: {  	s2 =	sld [smem:$0x3FD9]  }
0x89: {  	s3 =	sld [smem:$0x3FFE];
	_ =	sdelay $0x1  }
0x8a: {  	s1 =	srdreg.scid  }
0x8b: {  	s0 =	sand.u32 $0x1, s1  }
0x8c: {  	s16 =	sshll.u32 s0, $0xA;
	s2 =	sadd.s32 s3, s2  }
0x8d: {  	s2 =	sadd.s32 s2, s16  }
0x8e: {  	[smem:$0x3FC2] =	sst s2  }
0x8f: {  	_ = 	snop  }
0x90: {  	(tm) =	ssettm $0x1  }
0x91: {  	s17 =	sld [smem:$0x3FFB];
	_ =	sdelay $0x3  }
0x92: {  	_ =	strace s17  }
0x93: {  	s2 =	sld [smem:$0x3FFC];
	_ =	sdelay $0x3  }
0x94: {  	_ =	strace s2  }
0x95: {  	s2 =	sld [smem:$0x3FFD];
	_ =	sdelay $0x3  }
0x96: {  	_ =	strace s2  }
0x97: {  	_ =	strace $0x8FFFFFFF  }
0x98: {  	s18 =	sld [smem:$0x3FDB];
	_ =	sdelay $0x1  }
0x99: {  	s19 =	simm.s32 $_scs_section_size  }
0x9a: {  	s4 =	simm.s32 $_size__tile_overlayer_lowered;
	s5 =	simm.s32 $_tile_overlayer_lowered  }
0x9b: {  	s22 =	simm.s32 $0x1BFF;
	s21 =	sshll.u32 s5, $0x1;
	s2 =	sadd.s32 s19, s18  }
0x9c: {  	s6 =	simm.s32 $0x0;
	s20 =	sshll.u32 s4, $0x1;
	s4 =	sadd.s32 s21, s2  }
0x9d: {  	[timem:s6], [sflag:s22] =	dma.local [hbm:s4], s20  }
0x9e: {  	_ =	swait.ge [sflag:s22], s20  }
0x9f: {  	s3 =	ssub.s32 $0x0, s20;
	[sflag:s22] =	ssyncset.done $0x0  }
0xa0: {  	[sflag:s22] =	ssyncadd.s32 s3;
	_ =	sdelay $0x1  }
0xa1: {  	s23 =	simm.s32 $0x1B8B  }
0xa2: {  	_ =	swait.ge [sflag:s23], $0x1  }
0xa3: {  	[sflag:s23] =	ssyncset.done $0x0  }
0xa4: {  	s25 =	simm.s32 $0x1B8E;
	s24 =	sld [smem:$0x3FFE];
	[sflag:s23] =	ssyncadd.s32 $0xFFFFFFFF  }
0xa5: {  	s26 =	simm.s32 $execute0_lowered;
	[smem:$0x3FD2] =	sst s25  }
0xa6: {  	s4 =	sshll.u32 s26, $0x1;
	_ =	strace $0x80000046;
	[dreg:$0x1] =	wrdreg $0xFFFFFFFF  }
0xa7: {  	s28 =	simm.s32 $_size_execute0_lowered;
	s2 =	sadd.s32 s2, s4;
	[dreg:$0x0] =	wrdreg $0x0  }
0xa8: {  	s4 =	sshll.u32 s28, $0x1;
	[dreg:$0x2] =	wrdreg s2  }
0xa9: {  	[dreg:$0x3] =	wrdreg s4  }
0xaa: {  	[dreg:$0x4] =	wrdreg $0xC0  }
0xab: {  	_ =	task [dreg:s6], $0x5FFFF  }
0xac: {  	[dreg:$0x1] =	wrdreg $0xFFFFFFFF  }
0xad: {  	[dreg:$0x0] =	wrdreg $0x60  }
0xae: {  	[dreg:$0x2] =	wrdreg s24  }
0xaf: {  	[dreg:$0x3] =	wrdreg $0x28800  }
0xb0: {  	[dreg:$0x4] =	wrdreg $0x9  }
0xb1: {  	_ =	task.clear_ibuf [dreg:s6], $0x5FFFF;
	_ =	strace $0x90000046  }
0xb2: {  	s29 =	simm.s32 $0x9;
	_ =	strace $0x80000048  }
0xb3: {  	_ =	swait.ge [sflag:s29], $0x1  }
0xb4: {  	[sflag:s29] =	ssyncadd.s32 $0xFFFFFFFF  }
0xb5: {  	_ =	strace $0x90000048  }
0xb6: {  	_ =	sfence  }
0xb7: {  	s30 =	sld [smem:$0x0];
	_ =	sdelay $0x2  }
0xb8: {  	s31 =	sshll.u32 s1, $0xD;
	s1 =	sshrl.u32 s1, $0x2  }
0xb9: {  	s3 =	sand.u32 $0x4000, s31;
	s1 =	sadd.s32 s1, s30  }
0xba: {  	s0 =	sor.u32 s3, s0;
	s1 =	sshll.u32 s1, $0x11  }
0xbb: {  	s0 =	sor.u32 s1, s0  }
0xbc: {  	s0 =	sadd.s32 $0x8F2B, s0  }
0xbd: {  	[sflag:s0] =	ssyncadd.remote.s32 $0x1  }
0xbe: {  	_ =	sfence.sel $0xFFFF  }
0xbf: {  	[dreg:$0x0] =	wrdreg $0xFFFFFFFF;
	(pc) =	sbr.abs _section_cstart, $3  }
0xc0: {  	[dreg:$0x1] =	wrdreg $0xFFFFFFFF  }
0xc1: {  	_ =	task.clear_ibuf [dreg:s6], $0x2FFFF;
	_ =	strace $0x9FFFFFFF  }
0xc2: {  	(tm) =	ssettm $0x7FFFFFFF  }
0xc3: {  	_ =	shalt  }
tec
execute0_lowered:
.L_overlay_start_1:
0x0: {  	(tag) =	ssettag $0x1  }
0x1: {  	s5 =	rddreg [dreg:$0x0]  }
0x2: {  	s2 =	rddreg [dreg:$0x1]  }
0x3: {  	s0 =	rddreg [dreg:$0x2]  }
0x4: {  	s3 =	srdreg.scid;
	s1 =	stileid.u32;
	s11 =	simm.s32 $0x80  }
0x5: {  	s12 =	simm.s32 $0x2800;
	s13 =	simm.s32 $0x0;
	s4 =	sand.u32 $0x1, s3  }
0x6: {  	s6 =	sshll.u32 s1, $0x1;
	s7 =	smul.u32 $0x280, s1;
	s3 =	simm.s32 $0x0  }
0x7: {  	s31 =	sshll.u32 s1, $0x6;
	s6 =	sor.u32 s4, s6;
	s8 =	smul.u32 $0x2800, s4  }
0x8: {  	[smem:$0x7FF] =	sst s3;
	s9 =	ssub.s32 $0x2, s4;
	s4 =	sadd.s32 $0x15E00, s5  }
0x9: {  	s6 =	smul.u32 $0x500, s6;
	_ =	strace $0x80000047;
	s30 =	sshrl.u32 s9, $0x1  }
0xa: {  	s10 =	sadd.s32 s7, s2;
	s8 =	sadd.s32 s7, s8;
	s9 =	ssub.s32 s9, s30  }
0xb: {  	s10 =	sshrl.u32 s10, $0x3;
	s6 =	sadd.s32 s6, s5;
	s8 =	sshrl.u32 s8, $0x3  }
0xc: {  	s7 =	smax.u32 s9, $0x1;
	s9 =	sor.u32 $0x1C01, s31;
	s8 =	sadd.s32 s8, s5  }
0xd: {  	v0 =	vimm.f32 $1.000000000e+00;
	s5 =	sadd.s32 $0x1E00, s6;
	s6 =	sadd.s32 $0x16000, s8;
	s8 =	simm.s32 $0x1  }
.LBB2_1:
0xe: {  	[tilespmem:$0x2800] =	vst v0  }
0xf: {  	[tilespmem:$0x2810] =	vst v0  }
0x10: {  	[tilespmem:$0x2820] =	vst v0  }
0x11: {  	[tilespmem:$0x2830] =	vst v0  }
0x12: {  	[tilespmem:$0x2840] =	vst v0  }
0x13: {  	[tilespmem:$0x2850] =	vst v0  }
0x14: {  	[tilespmem:$0x2860] =	vst v0  }
0x15: {  	[tilespmem:$0x2870] =	vst v0  }
0x16: {  	[tilespmem:s3], [sflag:$0x1] =	stream.linear.gather [hbm4b:s5+s3], $0x2800, $0x38;
	[tilespmem:$0x2B00] =	vst v63  }
0x17: {  	_ =	swait.ge [sflag:s8], $0x2800  }
0x18: {  	[sflag:s8] =	ssyncset.done $0x0  }
0x19: {  	[sflag:s8] =	ssyncadd.s32 $0xFFFFD800  }
0x1a: {  	[spmem:s10], [sflag:s9] =	dma.local [hbm:s4], $0x50  }
0x1b: {  	_ =	swait.ge [sflag:s8], $0x50  }
0x1c: {  	[sflag:s8] =	ssyncset.done $0x0  }
0x1d: {  	[sflag:s8] =	ssyncadd.s32 $0xFFFFFFB0  }
0x1e: {  	s14 =	simm.s32 $0x0;
	[bflag:$0x0] =	sbarrier.arrive $0xFFFF  }
0x1f: {  	[spmem:s2] =	stream.indirect.scatter.add.f32 [tilespmem:s12], [sflag:$0x1], $0x1, s14, s11, $0xb8;
	[tilespmem:$0x2B00] =	vst v63  }
0x20: {  	_ =	swait.ge [sflag:s8], $0x80  }
0x21: {  	s14 =	simm.s32 $0x200;
	[sflag:s8] =	ssyncset.done $0x0  }
.LBB2_2:
0x22: {  	s15 =	sshra.s32 s14, $0x2;
	[sflag:s8] =	ssyncadd.s32 $0xFFFFFF80;
	p0 =	sne.s32 s14, $0x9E00  }
0x23: {  	[spmem:s2] =	stream.indirect.scatter.add.f32 [tilespmem:s12], [sflag:$0x1], $0x1, s15, s11, $0xb8;
	[tilespmem:$0x2B00] =	vst v63  }
.Ltmp0:
0x24: {  	_ = 	snop;
	(pc) =	sbr.rel @p0 .LBB2_2-.Ltmp0, $4  }
0x25: {  	_ = 	snop  }
0x26: {  	s14 =	sadd.s32 $0x200, s14  }
0x27: {  	_ =	swait.ge [sflag:s8], $0x80  }
0x28: {  	[sflag:s8] =	ssyncset.done $0x0  }
0x29: {  	s13 =	sadd.s32 $0x1, s13  }
0x2a: {  	[sflag:s8] =	ssyncadd.s32 $0xFFFFFF80;
	p0 =	sne.s32 s13, s7  }
.Ltmp1:
0x2b: {  	[bflag:$0x0] =	sbarrier.arrive $0xFFFF;
	(pc) =	sbr.rel @p0 .LBB2_1-.Ltmp1, $4  }
0x2c: {  	[hbm:s6], [sflag:s9] =	dma.local [spmem:s10], $0x50  }
0x2d: {  	_ =	swait.ge [sflag:s8], $0x50  }
0x2e: {  	[sflag:s8] =	ssyncset.done $0x0  }
0x2f: {  	[sflag:s8] =	ssyncadd.s32 $0xFFFFFFB0  }
0x30: {  	_ =	sfence.sel $0x180000  }
0x31: {  	[bflag:$0x0] =	sbarrier.arrive $0xFFFF  }
0x32: {  	p0 =	sne.s32 s1, $0x0;
	_ =	strace $0x90000047  }
0x33: {  	s0 =	sadd.s32 @!p0 $0x100000, s0;
	[bflag:$0x2] =	sbarrier.arrive $0xFFFF  }
0x34: {  	[sflag:s0] =	ssyncadd.tile.s32 @!p0 $0x1;
	_ =	shalt  }
.Lfunc_end2:
_tile_overlayer_lowered:
.L_overlay_start_2:
0x35: {  	(tag) =	ssettag $0x2  }
0x36: {  	s0 =	rddreg [dreg:$0x0];
	s2 =	stileid.u32  }
0x37: {  	s1 =	rddreg [dreg:$0x1];
	p0 =	sne.s32 s2, $0x0  }
0x38: {  	s3 =	rddreg [dreg:$0x2];
	[bflag:$0x3] =	sbarrier.arrive $0xFFFF;
	s2 =	simm.s32 @!p0 $0x1C01  }
0x39: {  	[timem:s3], [sflag:s2] =	dma.local @!p0 [hbm:s0], s1  }
0x3a: {  	s0 =	simm.s32 @!p0 $0x1  }
0x3b: {  	_ =	swait.ge @!p0 [sflag:s0], s1  }
0x3c: {  	s1 =	ssub.s32 @!p0 $0x0, s1;
	[sflag:s0] =	ssyncset.done @!p0 $0x0  }
0x3d: {  	[sflag:s0] =	ssyncadd.s32 @!p0 s1  }
0x3e: {  	[bflag:$0x3] =	sbarrier.arrive $0xFFFF  }
0x3f: {  	_ =	shalt  }

</sc_bundles>
